<compile_context>
chip_gen: v7x
topology: tpu7x:2x2x1
jax: 0.10.2.dev20260603
libtpu: 0.0.44.dev20260713+nightly
codegen_flags: <defaults>
</compile_context>

<pallas_src>
import functools

import jax
import jax.numpy as jnp
from jax import lax
from jax.experimental import pallas as pl
from jax.experimental.pallas import tpu as pltpu
from jax.experimental.pallas import tpu_sc as plsc

_D = 3072
_N_CB = 37
_N_TOK = 2048
_NW = 32
_TPW = _N_TOK // _NW
_LANES = 16
_CHUNKS = _D // _LANES
_IDX_GRP = 8
_N_CB_PAD = 40


def _sc_body(idx_hbm, table_hbm, out_hbm, idx_v, rows_v, sem):
    nc = 2
    wid = lax.axis_index("s") * nc + lax.axis_index("c")
    base = wid * _TPW

    def group_body(grp, carry):
        gbase = base + grp * _IDX_GRP
        pltpu.sync_copy(idx_hbm.at[pl.ds(gbase, _IDX_GRP)], idx_v)

        def token_body(t, carry1):
            pltpu.async_copy(table_hbm.at[idx_v.at[t]], rows_v, sem).wait()

            def chunk_body(c, carry2):
                s = rows_v[0, pl.ds(c * _LANES, _LANES)]
                for j in range(1, _N_CB):
                    s = s + rows_v[j, pl.ds(c * _LANES, _LANES)]
                rows_v[0, pl.ds(c * _LANES, _LANES)] = s
                return carry2

            lax.fori_loop(0, _CHUNKS, chunk_body, 0, unroll=False)
            pltpu.sync_copy(rows_v.at[0], out_hbm.at[gbase + t])
            return carry1

        lax.fori_loop(0, _IDX_GRP, token_body, 0, unroll=False)
        return carry

    lax.fori_loop(0, _TPW // _IDX_GRP, group_body, 0, unroll=False)


@jax.jit
def _run(gidx, table):
    mesh = plsc.VectorSubcoreMesh(core_axis_name="c", subcore_axis_name="s")
    f = functools.partial(
        pl.kernel,
        out_type=jax.ShapeDtypeStruct((_N_TOK, _D), jnp.float32),
        mesh=mesh,
        scratch_types=[
            pltpu.VMEM((_IDX_GRP, _N_CB_PAD), jnp.int32),
            pltpu.VMEM((_N_CB_PAD, _D), jnp.float32),
            pltpu.SemaphoreType.DMA,
        ],
    )(_sc_body)
    return f(gidx, table)


def kernel(codes, table, offsets):
    b, t, n_cb = codes.shape
    codes2 = codes.reshape(b * t, n_cb).astype(jnp.int32)
    gidx = codes2 + offsets[None, :].astype(jnp.int32)
    gidx = jnp.pad(gidx, ((0, 0), (0, _N_CB_PAD - n_cb)))
    out = _run(gidx, table)
    return out.reshape(b, t, _D)

# --- scband reference (transcript-rebuilt; emitter-appended) ---
"""Pipeline reference for scband-multi-vocab-embeddings-5162550690191 (READ-ONLY COPY).

The authoritative reference and input builder live on the scoring server;
editing this copy changes nothing except your own understanding.
"""

import jax, jax.numpy as jnp
import numpy as np

CODEBOOK_SIZES = [8194] + [23] * 36
EMBED_DIM = 3072


def setup_inputs(seed: int = 0) -> dict:
    key = jax.random.key(seed)
    k1, k2 = jax.random.split(key)
    codes = jax.random.randint(k1, (8, 256, 37), 0, 21)
    offs = np.cumsum([0] + CODEBOOK_SIZES)[:-1]
    offsets = jnp.asarray(offs, dtype=jnp.int32)
    total_entries = int(sum(CODEBOOK_SIZES))
    table = jax.random.normal(k2, (total_entries, EMBED_DIM), dtype=jnp.float32) * 0.02
    return {"codes": codes, "table": table, "offsets": offsets}


def reference(codes, table, offsets):
    # codes: [B, T, n_codebooks] int; offsets: [n_codebooks] int; table: [total, D]
    global_indices = codes + offsets  # broadcast over last dim
    all_embeds = jnp.take(table, global_indices, axis=0)  # [B, T, n_cb, D]
    return all_embeds.sum(axis=-2)  # [B, T, D]

if __name__ == "__main__":
    import jax
    _d = setup_inputs()
    print(jax.jit(kernel)(*tuple(_d.values())))

</pallas_src>

<mosaic_0001>
#map = affine_map<(d0, d1) -> (0, 0)>
module attributes {stable_mosaic.version = 14 : i64} {
  func.func @_sc_body(%arg0: i32, %arg1: i32, %arg2: memref<2048x40xi32, #tpu.memory_space<hbm>>, %arg3: memref<9022x3072xf32, #tpu.memory_space<hbm>>, %arg4: memref<2048x3072xf32, #tpu.memory_space<hbm>>, %arg5: memref<8x40xi32, #tpu.memory_space<vmem>>, %arg6: memref<40x3072xf32, #tpu.memory_space<vmem>>, %arg7: memref<!tpu.dma_semaphore, #tpu.memory_space<semaphore_mem>>) attributes {dimension_semantics = [#tpu.dimension_semantics<core_parallel>, #tpu.dimension_semantics<subcore_parallel>], iteration_bounds = array<i64: 2, 16>, scalar_prefetch = 0 : i64, scratch_operands = 3 : i64, tpu.core_type = #tpu.core_type<sc_vector_subcore>, window_params = [{transform_indices = #map}, {transform_indices = #map}, {transform_indices = #map}]} {
    %mul3A = arith.constant 2 : i32
    %mul3A_0 = arith.muli %arg1, %mul3A : i32
    %add3A = arith.addi %mul3A_0, %arg0 : i32
    %mul3A_1 = arith.constant 64 : i32
    %mul3A_2 = arith.muli %add3A, %mul3A_1 : i32
    %scan3A = arith.constant 0 : i32
    %scan3A_3 = arith.constant 0 : i32
    %scan3A_4 = arith.constant 8 : i32
    %scan3A_5 = arith.addi %scan3A_3, %scan3A_4 : i32
    %scan3A_6 = arith.constant 1 : i32
    scf.for %scan3A_8 = %scan3A_3 to %scan3A_5 step %scan3A_6  : i32 {
      %mul3A_9 = arith.constant 8 : i32
      %mul3A_10 = arith.muli %scan3A_8, %mul3A_9 : i32
      %add3A_11 = arith.addi %mul3A_2, %mul3A_10 : i32
      "tpu.region"() ({
        %run_scoped3A = tpu.sem_alloc : memref<!tpu.dma_semaphore, #tpu.memory_space<semaphore_mem>>
        %dma_start3A = arith.constant 0 : i32
        %dma_start3A_18 = tpu.memref_slice %arg2[%add3A_11, %dma_start3A] : memref<2048x40xi32, #tpu.memory_space<hbm>> -> memref<8x40xi32, #tpu.memory_space<hbm>>
        %dma_start3A_19 = arith.constant 0 : i32
        %dma_start3A_20 = tpu.memref_slice %arg2[%add3A_11, %dma_start3A_19] : memref<2048x40xi32, #tpu.memory_space<hbm>> -> memref<8x40xi32, #tpu.memory_space<hbm>>
        tpu.enqueue_dma source(%dma_start3A_20 : memref<8x40xi32, #tpu.memory_space<hbm>>) target(%arg5 : memref<8x40xi32, #tpu.memory_space<vmem>>) target_semaphore(%run_scoped3A : memref<!tpu.dma_semaphore, #tpu.memory_space<semaphore_mem>>)
        %dma_wait3A = arith.constant 0 : i32
        %dma_wait3A_21 = tpu.memref_slice %arg2[%add3A_11, %dma_wait3A] : memref<2048x40xi32, #tpu.memory_space<hbm>> -> memref<8x40xi32, #tpu.memory_space<hbm>>
        %dma_wait3A_22 = arith.constant 0 : i32
        %dma_wait3A_23 = tpu.memref_slice %arg2[%add3A_11, %dma_wait3A_22] : memref<2048x40xi32, #tpu.memory_space<hbm>> -> memref<8x40xi32, #tpu.memory_space<hbm>>
        tpu.wait_dma2 semaphore(%run_scoped3A : memref<!tpu.dma_semaphore, #tpu.memory_space<semaphore_mem>>) src(%dma_wait3A_23 : memref<8x40xi32, #tpu.memory_space<hbm>>) dst(%arg5 : memref<8x40xi32, #tpu.memory_space<vmem>>)
        tpu.yield
      }) : () -> ()
      %scan3A_12 = arith.constant 0 : i32
      %scan3A_13 = arith.constant 0 : i32
      %scan3A_14 = arith.constant 8 : i32
      %scan3A_15 = arith.addi %scan3A_13, %scan3A_14 : i32
      %scan3A_16 = arith.constant 1 : i32
      scf.for %scan3A_18 = %scan3A_13 to %scan3A_15 step %scan3A_16  : i32 {
        %dma_start3A = arith.constant 0 : i32
        %dma_start3A_19 = tpu.memref_slice %arg5[%scan3A_18, %dma_start3A] : memref<8x40xi32, #tpu.memory_space<vmem>> -> memref<1x40xi32, #tpu.memory_space<vmem>>
        %dma_start3A_20 = tpu.memref_squeeze %dma_start3A_19 : memref<1x40xi32, #tpu.memory_space<vmem>> -> memref<40xi32, #tpu.memory_space<vmem>>
        %dma_start3A_21 = arith.constant 0 : i32
        %dma_start3A_22 = arith.constant 0 : i32
        %dma_start3A_23 = tpu.memref_slice %arg3[%dma_start3A_21, %dma_start3A_22] : memref<9022x3072xf32, #tpu.memory_space<hbm>> -> memref<9022x3072xf32, #tpu.memory_space<hbm>>
        tpu.enqueue_indirect_dma source(%dma_start3A_23 : memref<9022x3072xf32, #tpu.memory_space<hbm>>) target(%arg6 : memref<40x3072xf32, #tpu.memory_space<vmem>>) offsets(%dma_start3A_20 : memref<40xi32, #tpu.memory_space<vmem>>) semaphore(%arg7 : memref<!tpu.dma_semaphore, #tpu.memory_space<semaphore_mem>>)
        %dma_wait3A = arith.constant 0 : i32
        %dma_wait3A_24 = tpu.memref_slice %arg5[%scan3A_18, %dma_wait3A] : memref<8x40xi32, #tpu.memory_space<vmem>> -> memref<1x40xi32, #tpu.memory_space<vmem>>
        %dma_wait3A_25 = tpu.memref_squeeze %dma_wait3A_24 : memref<1x40xi32, #tpu.memory_space<vmem>> -> memref<40xi32, #tpu.memory_space<vmem>>
        %dma_wait3A_26 = arith.constant 0 : i32
        %dma_wait3A_27 = arith.constant 0 : i32
        %dma_wait3A_28 = tpu.memref_slice %arg3[%dma_wait3A_26, %dma_wait3A_27] : memref<9022x3072xf32, #tpu.memory_space<hbm>> -> memref<9022x3072xf32, #tpu.memory_space<hbm>>
        tpu.wait_indirect_dma semaphore(%arg7 : memref<!tpu.dma_semaphore, #tpu.memory_space<semaphore_mem>>) src(%dma_wait3A_28 : memref<9022x3072xf32, #tpu.memory_space<hbm>>) dst(%arg6 : memref<40x3072xf32, #tpu.memory_space<vmem>>)
        %scan3A_29 = arith.constant 0 : i32
        %scan3A_30 = arith.constant 0 : i32
        %scan3A_31 = arith.constant 192 : i32
        %scan3A_32 = arith.addi %scan3A_30, %scan3A_31 : i32
        %scan3A_33 = arith.constant 1 : i32
        scf.for %scan3A_36 = %scan3A_30 to %scan3A_32 step %scan3A_33  : i32 {
          %mul3A_37 = arith.constant 16 : i32
          %mul3A_38 = arith.muli %scan3A_36, %mul3A_37 : i32
          %get3A = arith.constant 0 : i32
          %get3A_39 = arith.index_cast %get3A : i32 to index
          %get3A_40 = arith.index_cast %mul3A_38 : i32 to index
          %get3A_41 = tpu.vector_load %arg6[%get3A_39, %get3A_40] {strides = array<i32>} : memref<40x3072xf32, #tpu.memory_space<vmem>>, vector<1x16xf32>,
          %get3A_42 = vector.shape_cast %get3A_41 : vector<1x16xf32> to vector<16xf32>
          %mul3A_43 = arith.constant 16 : i32
          %mul3A_44 = arith.muli %scan3A_36, %mul3A_43 : i32
          %get3A_45 = arith.constant 1 : i32
          %get3A_46 = arith.index_cast %get3A_45 : i32 to index
          %get3A_47 = arith.index_cast %mul3A_44 : i32 to index
          %get3A_48 = tpu.vector_load %arg6[%get3A_46, %get3A_47] {strides = array<i32>} : memref<40x3072xf32, #tpu.memory_space<vmem>>, vector<1x16xf32>,
          %get3A_49 = vector.shape_cast %get3A_48 : vector<1x16xf32> to vector<16xf32>
          %add3A_50 = arith.addf %get3A_42, %get3A_49 : vector<16xf32>
          %mul3A_51 = arith.constant 16 : i32
          %mul3A_52 = arith.muli %scan3A_36, %mul3A_51 : i32
          %get3A_53 = arith.constant 2 : i32
          %get3A_54 = arith.index_cast %get3A_53 : i32 to index
          %get3A_55 = arith.index_cast %mul3A_52 : i32 to index
          %get3A_56 = tpu.vector_load %arg6[%get3A_54, %get3A_55] {strides = array<i32>} : memref<40x3072xf32, #tpu.memory_space<vmem>>, vector<1x16xf32>,
          %get3A_57 = vector.shape_cast %get3A_56 : vector<1x16xf32> to vector<16xf32>
          %add3A_58 = arith.addf %add3A_50, %get3A_57 : vector<16xf32>
          %mul3A_59 = arith.constant 16 : i32
          %mul3A_60 = arith.muli %scan3A_36, %mul3A_59 : i32
          %get3A_61 = arith.constant 3 : i32
          %get3A_62 = arith.index_cast %get3A_61 : i32 to index
          %get3A_63 = arith.index_cast %mul3A_60 : i32 to index
          %get3A_64 = tpu.vector_load %arg6[%get3A_62, %get3A_63] {strides = array<i32>} : memref<40x3072xf32, #tpu.memory_space<vmem>>, vector<1x16xf32>,
          %get3A_65 = vector.shape_cast %get3A_64 : vector<1x16xf32> to vector<16xf32>
          %add3A_66 = arith.addf %add3A_58, %get3A_65 : vector<16xf32>
          %mul3A_67 = arith.constant 16 : i32
          %mul3A_68 = arith.muli %scan3A_36, %mul3A_67 : i32
          %get3A_69 = arith.constant 4 : i32
          %get3A_70 = arith.index_cast %get3A_69 : i32 to index
          %get3A_71 = arith.index_cast %mul3A_68 : i32 to index
          %get3A_72 = tpu.vector_load %arg6[%get3A_70, %get3A_71] {strides = array<i32>} : memref<40x3072xf32, #tpu.memory_space<vmem>>, vector<1x16xf32>,
          %get3A_73 = vector.shape_cast %get3A_72 : vector<1x16xf32> to vector<16xf32>
          %add3A_74 = arith.addf %add3A_66, %get3A_73 : vector<16xf32>
          %mul3A_75 = arith.constant 16 : i32
          %mul3A_76 = arith.muli %scan3A_36, %mul3A_75 : i32
          %get3A_77 = arith.constant 5 : i32
          %get3A_78 = arith.index_cast %get3A_77 : i32 to index
          %get3A_79 = arith.index_cast %mul3A_76 : i32 to index
          %get3A_80 = tpu.vector_load %arg6[%get3A_78, %get3A_79] {strides = array<i32>} : memref<40x3072xf32, #tpu.memory_space<vmem>>, vector<1x16xf32>,
          %get3A_81 = vector.shape_cast %get3A_80 : vector<1x16xf32> to vector<16xf32>
          %add3A_82 = arith.addf %add3A_74, %get3A_81 : vector<16xf32>
          %mul3A_83 = arith.constant 16 : i32
          %mul3A_84 = arith.muli %scan3A_36, %mul3A_83 : i32
          %get3A_85 = arith.constant 6 : i32
          %get3A_86 = arith.index_cast %get3A_85 : i32 to index
          %get3A_87 = arith.index_cast %mul3A_84 : i32 to index
          %get3A_88 = tpu.vector_load %arg6[%get3A_86, %get3A_87] {strides = array<i32>} : memref<40x3072xf32, #tpu.memory_space<vmem>>, vector<1x16xf32>,
          %get3A_89 = vector.shape_cast %get3A_88 : vector<1x16xf32> to vector<16xf32>
          %add3A_90 = arith.addf %add3A_82, %get3A_89 : vector<16xf32>
          %mul3A_91 = arith.constant 16 : i32
          %mul3A_92 = arith.muli %scan3A_36, %mul3A_91 : i32
          %get3A_93 = arith.constant 7 : i32
          %get3A_94 = arith.index_cast %get3A_93 : i32 to index
          %get3A_95 = arith.index_cast %mul3A_92 : i32 to index
          %get3A_96 = tpu.vector_load %arg6[%get3A_94, %get3A_95] {strides = array<i32>} : memref<40x3072xf32, #tpu.memory_space<vmem>>, vector<1x16xf32>,
          %get3A_97 = vector.shape_cast %get3A_96 : vector<1x16xf32> to vector<16xf32>
          %add3A_98 = arith.addf %add3A_90, %get3A_97 : vector<16xf32>
          %mul3A_99 = arith.constant 16 : i32
          %mul3A_100 = arith.muli %scan3A_36, %mul3A_99 : i32
          %get3A_101 = arith.constant 8 : i32
          %get3A_102 = arith.index_cast %get3A_101 : i32 to index
          %get3A_103 = arith.index_cast %mul3A_100 : i32 to index
          %get3A_104 = tpu.vector_load %arg6[%get3A_102, %get3A_103] {strides = array<i32>} : memref<40x3072xf32, #tpu.memory_space<vmem>>, vector<1x16xf32>,
          %get3A_105 = vector.shape_cast %get3A_104 : vector<1x16xf32> to vector<16xf32>
          %add3A_106 = arith.addf %add3A_98, %get3A_105 : vector<16xf32>
          %mul3A_107 = arith.constant 16 : i32
          %mul3A_108 = arith.muli %scan3A_36, %mul3A_107 : i32
          %get3A_109 = arith.constant 9 : i32
          %get3A_110 = arith.index_cast %get3A_109 : i32 to index
          %get3A_111 = arith.index_cast %mul3A_108 : i32 to index
          %get3A_112 = tpu.vector_load %arg6[%get3A_110, %get3A_111] {strides = array<i32>} : memref<40x3072xf32, #tpu.memory_space<vmem>>, vector<1x16xf32>,
          %get3A_113 = vector.shape_cast %get3A_112 : vector<1x16xf32> to vector<16xf32>
          %add3A_114 = arith.addf %add3A_106, %get3A_113 : vector<16xf32>
          %mul3A_115 = arith.constant 16 : i32
          %mul3A_116 = arith.muli %scan3A_36, %mul3A_115 : i32
          %get3A_117 = arith.constant 10 : i32
          %get3A_118 = arith.index_cast %get3A_117 : i32 to index
          %get3A_119 = arith.index_cast %mul3A_116 : i32 to index
          %get3A_120 = tpu.vector_load %arg6[%get3A_118, %get3A_119] {strides = array<i32>} : memref<40x3072xf32, #tpu.memory_space<vmem>>, vector<1x16xf32>,
          %get3A_121 = vector.shape_cast %get3A_120 : vector<1x16xf32> to vector<16xf32>
          %add3A_122 = arith.addf %add3A_114, %get3A_121 : vector<16xf32>
          %mul3A_123 = arith.constant 16 : i32
          %mul3A_124 = arith.muli %scan3A_36, %mul3A_123 : i32
          %get3A_125 = arith.constant 11 : i32
          %get3A_126 = arith.index_cast %get3A_125 : i32 to index
          %get3A_127 = arith.index_cast %mul3A_124 : i32 to index
          %get3A_128 = tpu.vector_load %arg6[%get3A_126, %get3A_127] {strides = array<i32>} : memref<40x3072xf32, #tpu.memory_space<vmem>>, vector<1x16xf32>,
          %get3A_129 = vector.shape_cast %get3A_128 : vector<1x16xf32> to vector<16xf32>
          %add3A_130 = arith.addf %add3A_122, %get3A_129 : vector<16xf32>
          %mul3A_131 = arith.constant 16 : i32
          %mul3A_132 = arith.muli %scan3A_36, %mul3A_131 : i32
          %get3A_133 = arith.constant 12 : i32
          %get3A_134 = arith.index_cast %get3A_133 : i32 to index
          %get3A_135 = arith.index_cast %mul3A_132 : i32 to index
          %get3A_136 = tpu.vector_load %arg6[%get3A_134, %get3A_135] {strides = array<i32>} : memref<40x3072xf32, #tpu.memory_space<vmem>>, vector<1x16xf32>,
          %get3A_137 = vector.shape_cast %get3A_136 : vector<1x16xf32> to vector<16xf32>
          %add3A_138 = arith.addf %add3A_130, %get3A_137 : vector<16xf32>
          %mul3A_139 = arith.constant 16 : i32
          %mul3A_140 = arith.muli %scan3A_36, %mul3A_139 : i32
          %get3A_141 = arith.constant 13 : i32
          %get3A_142 = arith.index_cast %get3A_141 : i32 to index
          %get3A_143 = arith.index_cast %mul3A_140 : i32 to index
          %get3A_144 = tpu.vector_load %arg6[%get3A_142, %get3A_143] {strides = array<i32>} : memref<40x3072xf32, #tpu.memory_space<vmem>>, vector<1x16xf32>,
          %get3A_145 = vector.shape_cast %get3A_144 : vector<1x16xf32> to vector<16xf32>
          %add3A_146 = arith.addf %add3A_138, %get3A_145 : vector<16xf32>
          %mul3A_147 = arith.constant 16 : i32
          %mul3A_148 = arith.muli %scan3A_36, %mul3A_147 : i32
          %get3A_149 = arith.constant 14 : i32
          %get3A_150 = arith.index_cast %get3A_149 : i32 to index
          %get3A_151 = arith.index_cast %mul3A_148 : i32 to index
          %get3A_152 = tpu.vector_load %arg6[%get3A_150, %get3A_151] {strides = array<i32>} : memref<40x3072xf32, #tpu.memory_space<vmem>>, vector<1x16xf32>,
          %get3A_153 = vector.shape_cast %get3A_152 : vector<1x16xf32> to vector<16xf32>
          %add3A_154 = arith.addf %add3A_146, %get3A_153 : vector<16xf32>
          %mul3A_155 = arith.constant 16 : i32
          %mul3A_156 = arith.muli %scan3A_36, %mul3A_155 : i32
          %get3A_157 = arith.constant 15 : i32
          %get3A_158 = arith.index_cast %get3A_157 : i32 to index
          %get3A_159 = arith.index_cast %mul3A_156 : i32 to index
          %get3A_160 = tpu.vector_load %arg6[%get3A_158, %get3A_159] {strides = array<i32>} : memref<40x3072xf32, #tpu.memory_space<vmem>>, vector<1x16xf32>,
          %get3A_161 = vector.shape_cast %get3A_160 : vector<1x16xf32> to vector<16xf32>
          %add3A_162 = arith.addf %add3A_154, %get3A_161 : vector<16xf32>
          %mul3A_163 = arith.constant 16 : i32
          %mul3A_164 = arith.muli %scan3A_36, %mul3A_163 : i32
          %get3A_165 = arith.constant 16 : i32
          %get3A_166 = arith.index_cast %get3A_165 : i32 to index
          %get3A_167 = arith.index_cast %mul3A_164 : i32 to index
          %get3A_168 = tpu.vector_load %arg6[%get3A_166, %get3A_167] {strides = array<i32>} : memref<40x3072xf32, #tpu.memory_space<vmem>>, vector<1x16xf32>,
          %get3A_169 = vector.shape_cast %get3A_168 : vector<1x16xf32> to vector<16xf32>
          %add3A_170 = arith.addf %add3A_162, %get3A_169 : vector<16xf32>
          %mul3A_171 = arith.constant 16 : i32
          %mul3A_172 = arith.muli %scan3A_36, %mul3A_171 : i32
          %get3A_173 = arith.constant 17 : i32
          %get3A_174 = arith.index_cast %get3A_173 : i32 to index
          %get3A_175 = arith.index_cast %mul3A_172 : i32 to index
          %get3A_176 = tpu.vector_load %arg6[%get3A_174, %get3A_175] {strides = array<i32>} : memref<40x3072xf32, #tpu.memory_space<vmem>>, vector<1x16xf32>,
          %get3A_177 = vector.shape_cast %get3A_176 : vector<1x16xf32> to vector<16xf32>
          %add3A_178 = arith.addf %add3A_170, %get3A_177 : vector<16xf32>
          %mul3A_179 = arith.constant 16 : i32
          %mul3A_180 = arith.muli %scan3A_36, %mul3A_179 : i32
          %get3A_181 = arith.constant 18 : i32
          %get3A_182 = arith.index_cast %get3A_181 : i32 to index
          %get3A_183 = arith.index_cast %mul3A_180 : i32 to index
          %get3A_184 = tpu.vector_load %arg6[%get3A_182, %get3A_183] {strides = array<i32>} : memref<40x3072xf32, #tpu.memory_space<vmem>>, vector<1x16xf32>,
          %get3A_185 = vector.shape_cast %get3A_184 : vector<1x16xf32> to vector<16xf32>
          %add3A_186 = arith.addf %add3A_178, %get3A_185 : vector<16xf32>
          %mul3A_187 = arith.constant 16 : i32
          %mul3A_188 = arith.muli %scan3A_36, %mul3A_187 : i32
          %get3A_189 = arith.constant 19 : i32
          %get3A_190 = arith.index_cast %get3A_189 : i32 to index
          %get3A_191 = arith.index_cast %mul3A_188 : i32 to index
          %get3A_192 = tpu.vector_load %arg6[%get3A_190, %get3A_191] {strides = array<i32>} : memref<40x3072xf32, #tpu.memory_space<vmem>>, vector<1x16xf32>,
          %get3A_193 = vector.shape_cast %get3A_192 : vector<1x16xf32> to vector<16xf32>
          %add3A_194 = arith.addf %add3A_186, %get3A_193 : vector<16xf32>
          %mul3A_195 = arith.constant 16 : i32
          %mul3A_196 = arith.muli %scan3A_36, %mul3A_195 : i32
          %get3A_197 = arith.constant 20 : i32
          %get3A_198 = arith.index_cast %get3A_197 : i32 to index
          %get3A_199 = arith.index_cast %mul3A_196 : i32 to index
          %get3A_200 = tpu.vector_load %arg6[%get3A_198, %get3A_199] {strides = array<i32>} : memref<40x3072xf32, #tpu.memory_space<vmem>>, vector<1x16xf32>,
          %get3A_201 = vector.shape_cast %get3A_200 : vector<1x16xf32> to vector<16xf32>
          %add3A_202 = arith.addf %add3A_194, %get3A_201 : vector<16xf32>
          %mul3A_203 = arith.constant 16 : i32
          %mul3A_204 = arith.muli %scan3A_36, %mul3A_203 : i32
          %get3A_205 = arith.constant 21 : i32
          %get3A_206 = arith.index_cast %get3A_205 : i32 to index
          %get3A_207 = arith.index_cast %mul3A_204 : i32 to index
          %get3A_208 = tpu.vector_load %arg6[%get3A_206, %get3A_207] {strides = array<i32>} : memref<40x3072xf32, #tpu.memory_space<vmem>>, vector<1x16xf32>,
          %get3A_209 = vector.shape_cast %get3A_208 : vector<1x16xf32> to vector<16xf32>
          %add3A_210 = arith.addf %add3A_202, %get3A_209 : vector<16xf32>
          %mul3A_211 = arith.constant 16 : i32
          %mul3A_212 = arith.muli %scan3A_36, %mul3A_211 : i32
          %get3A_213 = arith.constant 22 : i32
          %get3A_214 = arith.index_cast %get3A_213 : i32 to index
          %get3A_215 = arith.index_cast %mul3A_212 : i32 to index
          %get3A_216 = tpu.vector_load %arg6[%get3A_214, %get3A_215] {strides = array<i32>} : memref<40x3072xf32, #tpu.memory_space<vmem>>, vector<1x16xf32>,
          %get3A_217 = vector.shape_cast %get3A_216 : vector<1x16xf32> to vector<16xf32>
          %add3A_218 = arith.addf %add3A_210, %get3A_217 : vector<16xf32>
          %mul3A_219 = arith.constant 16 : i32
          %mul3A_220 = arith.muli %scan3A_36, %mul3A_219 : i32
          %get3A_221 = arith.constant 23 : i32
          %get3A_222 = arith.index_cast %get3A_221 : i32 to index
          %get3A_223 = arith.index_cast %mul3A_220 : i32 to index
          %get3A_224 = tpu.vector_load %arg6[%get3A_222, %get3A_223] {strides = array<i32>} : memref<40x3072xf32, #tpu.memory_space<vmem>>, vector<1x16xf32>,
          %get3A_225 = vector.shape_cast %get3A_224 : vector<1x16xf32> to vector<16xf32>
          %add3A_226 = arith.addf %add3A_218, %get3A_225 : vector<16xf32>
          %mul3A_227 = arith.constant 16 : i32
          %mul3A_228 = arith.muli %scan3A_36, %mul3A_227 : i32
          %get3A_229 = arith.constant 24 : i32
          %get3A_230 = arith.index_cast %get3A_229 : i32 to index
          %get3A_231 = arith.index_cast %mul3A_228 : i32 to index
          %get3A_232 = tpu.vector_load %arg6[%get3A_230, %get3A_231] {strides = array<i32>} : memref<40x3072xf32, #tpu.memory_space<vmem>>, vector<1x16xf32>,
          %get3A_233 = vector.shape_cast %get3A_232 : vector<1x16xf32> to vector<16xf32>
          %add3A_234 = arith.addf %add3A_226, %get3A_233 : vector<16xf32>
          %mul3A_235 = arith.constant 16 : i32
          %mul3A_236 = arith.muli %scan3A_36, %mul3A_235 : i32
          %get3A_237 = arith.constant 25 : i32
          %get3A_238 = arith.index_cast %get3A_237 : i32 to index
          %get3A_239 = arith.index_cast %mul3A_236 : i32 to index
          %get3A_240 = tpu.vector_load %arg6[%get3A_238, %get3A_239] {strides = array<i32>} : memref<40x3072xf32, #tpu.memory_space<vmem>>, vector<1x16xf32>,
          %get3A_241 = vector.shape_cast %get3A_240 : vector<1x16xf32> to vector<16xf32>
          %add3A_242 = arith.addf %add3A_234, %get3A_241 : vector<16xf32>
          %mul3A_243 = arith.constant 16 : i32
          %mul3A_244 = arith.muli %scan3A_36, %mul3A_243 : i32
          %get3A_245 = arith.constant 26 : i32
          %get3A_246 = arith.index_cast %get3A_245 : i32 to index
          %get3A_247 = arith.index_cast %mul3A_244 : i32 to index
          %get3A_248 = tpu.vector_load %arg6[%get3A_246, %get3A_247] {strides = array<i32>} : memref<40x3072xf32, #tpu.memory_space<vmem>>, vector<1x16xf32>,
          %get3A_249 = vector.shape_cast %get3A_248 : vector<1x16xf32> to vector<16xf32>
          %add3A_250 = arith.addf %add3A_242, %get3A_249 : vector<16xf32>
          %mul3A_251 = arith.constant 16 : i32
          %mul3A_252 = arith.muli %scan3A_36, %mul3A_251 : i32
          %get3A_253 = arith.constant 27 : i32
          %get3A_254 = arith.index_cast %get3A_253 : i32 to index
          %get3A_255 = arith.index_cast %mul3A_252 : i32 to index
          %get3A_256 = tpu.vector_load %arg6[%get3A_254, %get3A_255] {strides = array<i32>} : memref<40x3072xf32, #tpu.memory_space<vmem>>, vector<1x16xf32>,
          %get3A_257 = vector.shape_cast %get3A_256 : vector<1x16xf32> to vector<16xf32>
          %add3A_258 = arith.addf %add3A_250, %get3A_257 : vector<16xf32>
          %mul3A_259 = arith.constant 16 : i32
          %mul3A_260 = arith.muli %scan3A_36, %mul3A_259 : i32
          %get3A_261 = arith.constant 28 : i32
          %get3A_262 = arith.index_cast %get3A_261 : i32 to index
          %get3A_263 = arith.index_cast %mul3A_260 : i32 to index
          %get3A_264 = tpu.vector_load %arg6[%get3A_262, %get3A_263] {strides = array<i32>} : memref<40x3072xf32, #tpu.memory_space<vmem>>, vector<1x16xf32>,
          %get3A_265 = vector.shape_cast %get3A_264 : vector<1x16xf32> to vector<16xf32>
          %add3A_266 = arith.addf %add3A_258, %get3A_265 : vector<16xf32>
          %mul3A_267 = arith.constant 16 : i32
          %mul3A_268 = arith.muli %scan3A_36, %mul3A_267 : i32
          %get3A_269 = arith.constant 29 : i32
          %get3A_270 = arith.index_cast %get3A_269 : i32 to index
          %get3A_271 = arith.index_cast %mul3A_268 : i32 to index
          %get3A_272 = tpu.vector_load %arg6[%get3A_270, %get3A_271] {strides = array<i32>} : memref<40x3072xf32, #tpu.memory_space<vmem>>, vector<1x16xf32>,
          %get3A_273 = vector.shape_cast %get3A_272 : vector<1x16xf32> to vector<16xf32>
          %add3A_274 = arith.addf %add3A_266, %get3A_273 : vector<16xf32>
          %mul3A_275 = arith.constant 16 : i32
          %mul3A_276 = arith.muli %scan3A_36, %mul3A_275 : i32
          %get3A_277 = arith.constant 30 : i32
          %get3A_278 = arith.index_cast %get3A_277 : i32 to index
          %get3A_279 = arith.index_cast %mul3A_276 : i32 to index
          %get3A_280 = tpu.vector_load %arg6[%get3A_278, %get3A_279] {strides = array<i32>} : memref<40x3072xf32, #tpu.memory_space<vmem>>, vector<1x16xf32>,
          %get3A_281 = vector.shape_cast %get3A_280 : vector<1x16xf32> to vector<16xf32>
          %add3A_282 = arith.addf %add3A_274, %get3A_281 : vector<16xf32>
          %mul3A_283 = arith.constant 16 : i32
          %mul3A_284 = arith.muli %scan3A_36, %mul3A_283 : i32
          %get3A_285 = arith.constant 31 : i32
          %get3A_286 = arith.index_cast %get3A_285 : i32 to index
          %get3A_287 = arith.index_cast %mul3A_284 : i32 to index
          %get3A_288 = tpu.vector_load %arg6[%get3A_286, %get3A_287] {strides = array<i32>} : memref<40x3072xf32, #tpu.memory_space<vmem>>, vector<1x16xf32>,
          %get3A_289 = vector.shape_cast %get3A_288 : vector<1x16xf32> to vector<16xf32>
          %add3A_290 = arith.addf %add3A_282, %get3A_289 : vector<16xf32>
          %mul3A_291 = arith.constant 16 : i32
          %mul3A_292 = arith.muli %scan3A_36, %mul3A_291 : i32
          %get3A_293 = arith.constant 32 : i32
          %get3A_294 = arith.index_cast %get3A_293 : i32 to index
          %get3A_295 = arith.index_cast %mul3A_292 : i32 to index
          %get3A_296 = tpu.vector_load %arg6[%get3A_294, %get3A_295] {strides = array<i32>} : memref<40x3072xf32, #tpu.memory_space<vmem>>, vector<1x16xf32>,
          %get3A_297 = vector.shape_cast %get3A_296 : vector<1x16xf32> to vector<16xf32>
          %add3A_298 = arith.addf %add3A_290, %get3A_297 : vector<16xf32>
          %mul3A_299 = arith.constant 16 : i32
          %mul3A_300 = arith.muli %scan3A_36, %mul3A_299 : i32
          %get3A_301 = arith.constant 33 : i32
          %get3A_302 = arith.index_cast %get3A_301 : i32 to index
          %get3A_303 = arith.index_cast %mul3A_300 : i32 to index
          %get3A_304 = tpu.vector_load %arg6[%get3A_302, %get3A_303] {strides = array<i32>} : memref<40x3072xf32, #tpu.memory_space<vmem>>, vector<1x16xf32>,
          %get3A_305 = vector.shape_cast %get3A_304 : vector<1x16xf32> to vector<16xf32>
          %add3A_306 = arith.addf %add3A_298, %get3A_305 : vector<16xf32>
          %mul3A_307 = arith.constant 16 : i32
          %mul3A_308 = arith.muli %scan3A_36, %mul3A_307 : i32
          %get3A_309 = arith.constant 34 : i32
          %get3A_310 = arith.index_cast %get3A_309 : i32 to index
          %get3A_311 = arith.index_cast %mul3A_308 : i32 to index
          %get3A_312 = tpu.vector_load %arg6[%get3A_310, %get3A_311] {strides = array<i32>} : memref<40x3072xf32, #tpu.memory_space<vmem>>, vector<1x16xf32>,
          %get3A_313 = vector.shape_cast %get3A_312 : vector<1x16xf32> to vector<16xf32>
          %add3A_314 = arith.addf %add3A_306, %get3A_313 : vector<16xf32>
          %mul3A_315 = arith.constant 16 : i32
          %mul3A_316 = arith.muli %scan3A_36, %mul3A_315 : i32
          %get3A_317 = arith.constant 35 : i32
          %get3A_318 = arith.index_cast %get3A_317 : i32 to index
          %get3A_319 = arith.index_cast %mul3A_316 : i32 to index
          %get3A_320 = tpu.vector_load %arg6[%get3A_318, %get3A_319] {strides = array<i32>} : memref<40x3072xf32, #tpu.memory_space<vmem>>, vector<1x16xf32>,
          %get3A_321 = vector.shape_cast %get3A_320 : vector<1x16xf32> to vector<16xf32>
          %add3A_322 = arith.addf %add3A_314, %get3A_321 : vector<16xf32>
          %mul3A_323 = arith.constant 16 : i32
          %mul3A_324 = arith.muli %scan3A_36, %mul3A_323 : i32
          %get3A_325 = arith.constant 36 : i32
          %get3A_326 = arith.index_cast %get3A_325 : i32 to index
          %get3A_327 = arith.index_cast %mul3A_324 : i32 to index
          %get3A_328 = tpu.vector_load %arg6[%get3A_326, %get3A_327] {strides = array<i32>} : memref<40x3072xf32, #tpu.memory_space<vmem>>, vector<1x16xf32>,
          %get3A_329 = vector.shape_cast %get3A_328 : vector<1x16xf32> to vector<16xf32>
          %add3A_330 = arith.addf %add3A_322, %get3A_329 : vector<16xf32>
          %mul3A_331 = arith.constant 16 : i32
          %mul3A_332 = arith.muli %scan3A_36, %mul3A_331 : i32
          %swap3A = arith.constant 0 : i32
          %swap3A_333 = arith.index_cast %swap3A : i32 to index
          %swap3A_334 = arith.index_cast %mul3A_332 : i32 to index
          %swap3A_335 = tpu.vector_load %arg6[%swap3A_333, %swap3A_334] {strides = array<i32>} : memref<40x3072xf32, #tpu.memory_space<vmem>>, vector<1x16xf32>,
          %swap3A_336 = vector.shape_cast %swap3A_335 : vector<1x16xf32> to vector<16xf32>
          %swap3A_337 = vector.shape_cast %add3A_330 : vector<16xf32> to vector<1x16xf32>
          tpu.vector_store %arg6[%swap3A_333, %swap3A_334], %swap3A_337 {strides = array<i32>} : memref<40x3072xf32, #tpu.memory_space<vmem>>, vector<1x16xf32>,
        }
        %scan3A_34 = arith.constant 192 : i32
        %add3A_35 = arith.addi %add3A_11, %scan3A_18 : i32
        %run_scoped3A = arith.constant 0 : i32
        "tpu.region"() ({
          %run_scoped3A_36 = tpu.sem_alloc : memref<!tpu.dma_semaphore, #tpu.memory_space<semaphore_mem>>
          %dma_start3A_37 = arith.constant 0 : i32
          %dma_start3A_38 = tpu.memref_slice %arg6[%run_scoped3A, %dma_start3A_37] : memref<40x3072xf32, #tpu.memory_space<vmem>> -> memref<1x3072xf32, #tpu.memory_space<vmem>>
          %dma_start3A_39 = tpu.memref_squeeze %dma_start3A_38 : memref<1x3072xf32, #tpu.memory_space<vmem>> -> memref<3072xf32, #tpu.memory_space<vmem>>
          %dma_start3A_40 = arith.constant 0 : i32
          %dma_start3A_41 = tpu.memref_slice %arg4[%add3A_35, %dma_start3A_40] : memref<2048x3072xf32, #tpu.memory_space<hbm>> -> memref<1x3072xf32, #tpu.memory_space<hbm>>
          %dma_start3A_42 = tpu.memref_squeeze %dma_start3A_41 : memref<1x3072xf32, #tpu.memory_space<hbm>> -> memref<3072xf32, #tpu.memory_space<hbm>>
          %dma_start3A_43 = arith.constant 0 : i32
          %dma_start3A_44 = tpu.memref_slice %arg4[%add3A_35, %dma_start3A_43] : memref<2048x3072xf32, #tpu.memory_space<hbm>> -> memref<1x3072xf32, #tpu.memory_space<hbm>>
          %dma_start3A_45 = tpu.memref_squeeze %dma_start3A_44 : memref<1x3072xf32, #tpu.memory_space<hbm>> -> memref<3072xf32, #tpu.memory_space<hbm>>
          %dma_start3A_46 = arith.constant 0 : i32
          %dma_start3A_47 = tpu.memref_slice %arg6[%run_scoped3A, %dma_start3A_46] : memref<40x3072xf32, #tpu.memory_space<vmem>> -> memref<1x3072xf32, #tpu.memory_space<vmem>>
          %dma_start3A_48 = tpu.memref_squeeze %dma_start3A_47 : memref<1x3072xf32, #tpu.memory_space<vmem>> -> memref<3072xf32, #tpu.memory_space<vmem>>
          tpu.enqueue_dma source(%dma_start3A_48 : memref<3072xf32, #tpu.memory_space<vmem>>) target(%dma_start3A_45 : memref<3072xf32, #tpu.memory_space<hbm>>) target_semaphore(%run_scoped3A_36 : memref<!tpu.dma_semaphore, #tpu.memory_space<semaphore_mem>>)
          %dma_wait3A_49 = arith.constant 0 : i32
          %dma_wait3A_50 = tpu.memref_slice %arg6[%run_scoped3A, %dma_wait3A_49] : memref<40x3072xf32, #tpu.memory_space<vmem>> -> memref<1x3072xf32, #tpu.memory_space<vmem>>
          %dma_wait3A_51 = tpu.memref_squeeze %dma_wait3A_50 : memref<1x3072xf32, #tpu.memory_space<vmem>> -> memref<3072xf32, #tpu.memory_space<vmem>>
          %dma_wait3A_52 = arith.constant 0 : i32
          %dma_wait3A_53 = tpu.memref_slice %arg4[%add3A_35, %dma_wait3A_52] : memref<2048x3072xf32, #tpu.memory_space<hbm>> -> memref<1x3072xf32, #tpu.memory_space<hbm>>
          %dma_wait3A_54 = tpu.memref_squeeze %dma_wait3A_53 : memref<1x3072xf32, #tpu.memory_space<hbm>> -> memref<3072xf32, #tpu.memory_space<hbm>>
          %dma_wait3A_55 = arith.constant 0 : i32
          %dma_wait3A_56 = tpu.memref_slice %arg4[%add3A_35, %dma_wait3A_55] : memref<2048x3072xf32, #tpu.memory_space<hbm>> -> memref<1x3072xf32, #tpu.memory_space<hbm>>
          %dma_wait3A_57 = tpu.memref_squeeze %dma_wait3A_56 : memref<1x3072xf32, #tpu.memory_space<hbm>> -> memref<3072xf32, #tpu.memory_space<hbm>>
          %dma_wait3A_58 = arith.constant 0 : i32
          %dma_wait3A_59 = tpu.memref_slice %arg6[%run_scoped3A, %dma_wait3A_58] : memref<40x3072xf32, #tpu.memory_space<vmem>> -> memref<1x3072xf32, #tpu.memory_space<vmem>>
          %dma_wait3A_60 = tpu.memref_squeeze %dma_wait3A_59 : memref<1x3072xf32, #tpu.memory_space<vmem>> -> memref<3072xf32, #tpu.memory_space<vmem>>
          tpu.wait_dma2 semaphore(%run_scoped3A_36 : memref<!tpu.dma_semaphore, #tpu.memory_space<semaphore_mem>>) src(%dma_wait3A_60 : memref<3072xf32, #tpu.memory_space<vmem>>) dst(%dma_wait3A_57 : memref<3072xf32, #tpu.memory_space<hbm>>)
          tpu.yield
        }) : () -> ()
      }
      %scan3A_17 = arith.constant 8 : i32
    }
    %scan3A_7 = arith.constant 8 : i32
    return
  }
}

</mosaic_0001>

<sc_bundles>
// kernel: _run.3.cloned.1.call-start
scs
__scs_entry_jumppad:
0x0: {  	(pc) =	sbr.rel $0x88, $3  }
0x1: {  	(tag) =	ssettag $0x0;
	lr =	simm.s32 $0x1  }
0x2: {  	[smem:$0x3F9F] =	sst lr;
	_ =	strace $0xD0000000  }
0x3: {  	_ = 	snop  }
0x4: {  	_ = 	snop  }
0x5: {  	_ = 	snop  }
0x6: {  	_ = 	snop  }
0x7: {  	_ = 	snop  }
__scs_overlays_trampoline_lowered:
0x8: {  	[smem:$0x3FAE] =	sst s0  }
0x9: {  	[smem:$0x3FAF] =	sst s1  }
0xa: {  	[smem:$0x3FB0] =	sst s2  }
0xb: {  	[smem:$0x3FB1] =	sst s3  }
0xc: {  	[smem:$0x3FB2] =	sst s4  }
0xd: {  	[smem:$0x3FB3] =	sst s5  }
0xe: {  	[smem:$0x3FB4] =	sst s6  }
0xf: {  	[smem:$0x3FB5] =	sst s7  }
0x10: {  	[smem:$0x3FB6] =	sst s8  }
0x11: {  	[smem:$0x3FB7] =	sst s9;
	s0 =	simm.s32 @!p0 $0x0  }
0x12: {  	s1 =	sld [smem:$0x3F9D];
	s0 =	simm.s32 @p0 $0x1  }
0x13: {  	[smem:$0x3FB8] =	sst s0;
	s0 =	simm.s32 @!p1 $0x0  }
0x14: {  	s2 =	sld [smem:$0x3F9C];
	s0 =	simm.s32 @p1 $0x1  }
0x15: {  	[smem:$0x3FB9] =	sst s0;
	s0 =	simm.s32 @!p2 $0x0  }
0x16: {  	s3 =	sld [smem:$0x3FDB];
	s0 =	simm.s32 @p2 $0x1  }
0x17: {  	s4 =	simm.s32 $0x1BF5;
	[smem:$0x3FBB] =	sst s0  }
0x18: {  	s0 =	sld [smem:$0x3F9E];
	_ =	swait.ge [sflag:s4], $0x0  }
0x19: {  	s7 =	sld [smem:$0x3F9F]  }
0x1a: {  	s8 =	sadd.s32 $0xFFFFE003, lr  }
0x1b: {  	s9 =	sadd.s32 $0xFFFFFEF7, lr;
	s5 =	simm.s32 $0xFFFFFFFF;
	p2 =	slt.u32 s8, $0xFFFFF086  }
0x1c: {  	p1 =	slt.u32 s9, $0xF7A;
	s5 =	simm.s32 @!p2 $0x0  }
0x1d: {  	s5 =	simm.s32 @p1 $0x1;
	p0 =	seq.s32 s7, s2  }
0x1e: {  	s7 =	smul.u32 @!p0 $0xF7A, s2;
	p2 =	seq.s32 @!p0 s5, $0x0  }
0x1f: {  	s9 =	smul.u32 $0xF7A, s1;
	s8 =	simm.s32 @!p0 $0x1BF5;
	p2 =	por !p2, p0  }
0x20: {  	[sflag:s8] =	ssyncset.s32 @!p0 $0xFFFFF086;
	s6 =	sadd.s32 @!p0 s3, s7;
	s7 =	simm.s32 @!p0 $0x108  }
0x21: {  	s3 =	sadd.s32 s3, s9;
	s6 =	sadd.s32 @!p0 $0x88, s6;
	s7 =	simm.s32 @p2 $0x1082  }
0x22: {  	[simem:s7], [sflag:s8] =	dma.local @!p0 [hbm:s6], $0xF7A  }
0x23: {  	s9 =	sor.u32 $0xD0000000, s2;
	s6 =	simm.s32 $0x108;
	_ =	swait.ge @!p0 [sflag:s8], $0x0  }
0x24: {  	s3 =	sadd.s32 $0x88, s3;
	s6 =	simm.s32 @!p1 $0x1082;
	[sflag:s4] =	ssyncset.s32 $0xFFFFF086  }
0x25: {  	[simem:s6], [sflag:s4] =	dma.local [hbm:s3], $0xF7A  }
0x26: {  	[smem:$0x3F9F] =	sst s1;
	(tag) =	ssettag s2;
	_ =	strace s9  }
0x27: {  	s1 =	sld [smem:$0x3FAF]  }
0x28: {  	s2 =	sld [smem:$0x3FB0]  }
0x29: {  	s4 =	sld [smem:$0x3FB2]  }
0x2a: {  	p0 =	seq.s32 s5, $0x0;
	s5 =	sld [smem:$0x3FB3]  }
0x2b: {  	s6 =	sld [smem:$0x3FB4]  }
0x2c: {  	s7 =	sld [smem:$0x3FB5]  }
0x2d: {  	s3 =	simm.s32 $0x108;
	s8 =	sld [smem:$0x3FB6]  }
0x2e: {  	s3 =	simm.s32 @!p0 $0x1082;
	s9 =	sld [smem:$0x3FB7]  }
0x2f: {  	lr =	sadd.s32 s0, s3;
	s0 =	sld [smem:$0x3FAE]  }
0x30: {  	s3 =	sld [smem:$0x3FB1]  }
0x31: {  	[smem:$0x3FBA] =	sst s10  }
0x32: {  	s10 =	sld [smem:$0x3FB8];
	_ =	sdelay $0x3  }
0x33: {  	p0 =	seq.s32 s10, $0x1;
	s10 =	sld [smem:$0x3FBA];
	_ =	sdelay $0x3  }
0x34: {  	[smem:$0x3FBA] =	sst s10  }
0x35: {  	s10 =	sld [smem:$0x3FB9];
	_ =	sdelay $0x3  }
0x36: {  	p1 =	seq.s32 s10, $0x1;
	s10 =	sld [smem:$0x3FBA];
	_ =	sdelay $0x3  }
0x37: {  	[smem:$0x3FBA] =	sst s10  }
0x38: {  	s10 =	sld [smem:$0x3FBB]  }
0x39: {  	_ = 	snop;
	(pc) =	sbr.ind lr, $3  }
0x3a: {  	_ = 	snop  }
0x3b: {  	_ = 	snop  }
0x3c: {  	p2 =	seq.s32 s10, $0x1;
	s10 =	sld [smem:$0x3FBA]  }
0x3d: {  	_ =	shalt  }
0x3e: {  	_ =	shalt  }
0x3f: {  	_ =	shalt  }
0x40: {  	_ =	shalt  }
0x41: {  	_ =	shalt  }
0x42: {  	_ =	shalt  }
0x43: {  	_ =	shalt  }
0x44: {  	_ =	shalt  }
0x45: {  	_ =	shalt  }
0x46: {  	_ =	shalt  }
0x47: {  	_ =	shalt  }
0x48: {  	_ =	shalt  }
0x49: {  	_ =	shalt  }
0x4a: {  	_ =	shalt  }
0x4b: {  	_ =	shalt  }
0x4c: {  	_ =	shalt  }
0x4d: {  	_ =	shalt  }
0x4e: {  	_ =	shalt  }
0x4f: {  	_ =	shalt  }
0x50: {  	_ =	shalt  }
0x51: {  	_ =	shalt  }
0x52: {  	_ =	shalt  }
0x53: {  	_ =	shalt  }
0x54: {  	_ =	shalt  }
0x55: {  	_ =	shalt  }
0x56: {  	_ =	shalt  }
0x57: {  	_ =	shalt  }
0x58: {  	_ =	shalt  }
0x59: {  	_ =	shalt  }
0x5a: {  	_ =	shalt  }
0x5b: {  	_ =	shalt  }
0x5c: {  	_ =	shalt  }
0x5d: {  	_ =	shalt  }
0x5e: {  	_ =	shalt  }
0x5f: {  	_ =	shalt  }
0x60: {  	_ =	shalt  }
0x61: {  	_ =	shalt  }
0x62: {  	_ =	shalt  }
0x63: {  	_ =	shalt  }
0x64: {  	_ =	shalt  }
0x65: {  	_ =	shalt  }
0x66: {  	_ =	shalt  }
0x67: {  	_ =	shalt  }
0x68: {  	_ =	shalt  }
0x69: {  	_ =	shalt  }
0x6a: {  	_ =	shalt  }
0x6b: {  	_ =	shalt  }
0x6c: {  	_ =	shalt  }
0x6d: {  	_ =	shalt  }
0x6e: {  	_ =	shalt  }
0x6f: {  	_ =	shalt  }
0x70: {  	_ =	shalt  }
0x71: {  	_ =	shalt  }
0x72: {  	_ =	shalt  }
0x73: {  	_ =	shalt  }
0x74: {  	_ =	shalt  }
0x75: {  	_ =	shalt  }
0x76: {  	_ =	shalt  }
0x77: {  	_ =	shalt  }
0x78: {  	_ =	shalt  }
0x79: {  	_ =	shalt  }
0x7a: {  	_ =	shalt  }
0x7b: {  	_ =	shalt  }
0x7c: {  	_ =	shalt  }
0x7d: {  	_ =	shalt  }
0x7e: {  	_ =	shalt  }
0x7f: {  	_ =	shalt  }
0x80: {  	_ =	shalt  }
0x81: {  	_ =	shalt  }
0x82: {  	_ =	shalt  }
0x83: {  	_ =	shalt  }
0x84: {  	_ =	shalt  }
0x85: {  	_ =	shalt  }
0x86: {  	_ =	shalt  }
0x87: {  	_ =	shalt  }
.Lfunc_end0:
.L_simem_size_0:
called_computation_lowered:
.L_overlay_start_0:
0x88: {  	s2 =	sld [smem:$0x3FD9]  }
0x89: {  	s3 =	sld [smem:$0x3FFE];
	_ =	sdelay $0x1  }
0x8a: {  	s1 =	srdreg.scid  }
0x8b: {  	s0 =	sand.u32 $0x1, s1  }
0x8c: {  	s17 =	sshll.u32 s0, $0xA;
	s2 =	sadd.s32 s3, s2  }
0x8d: {  	s2 =	sadd.s32 s2, s17  }
0x8e: {  	[smem:$0x3FC6] =	sst s2  }
0x8f: {  	_ = 	snop  }
0x90: {  	s2 =	sld [smem:$0x3FC8]  }
0x91: {  	s18 =	sld [smem:$0x3FD0];
	(tm) =	ssettm $0x1  }
0x92: {  	s4 =	sld [smem:$0x3FFB];
	_ =	sdelay $0x3  }
0x93: {  	_ =	strace s4  }
0x94: {  	s4 =	sld [smem:$0x3FFC];
	_ =	sdelay $0x3  }
0x95: {  	_ =	strace s4  }
0x96: {  	s4 =	sld [smem:$0x3FFD];
	_ =	sdelay $0x3  }
0x97: {  	_ =	strace s4  }
0x98: {  	_ =	strace $0x8FFFFFFF  }
0x99: {  	s19 =	sld [smem:$0x3FDB];
	_ =	sdelay $0x1  }
0x9a: {  	s5 =	simm.s32 $_scs_section_size  }
0x9b: {  	s6 =	simm.s32 $_size__tile_overlayer_lowered;
	s7 =	simm.s32 $_tile_overlayer_lowered  }
0x9c: {  	s22 =	simm.s32 $0x1BFF;
	s21 =	sshll.u32 s7, $0x1;
	s4 =	sadd.s32 s5, s19  }
0x9d: {  	s8 =	simm.s32 $0x0;
	s20 =	sshll.u32 s6, $0x1;
	s6 =	sadd.s32 s21, s4  }
0x9e: {  	[timem:s8], [sflag:s22] =	dma.local [hbm:s6], s20  }
0x9f: {  	_ =	swait.ge [sflag:s22], s20  }
0xa0: {  	s5 =	ssub.s32 $0x0, s20;
	[sflag:s22] =	ssyncset.done $0x0  }
0xa1: {  	[sflag:s22] =	ssyncadd.s32 s5;
	_ =	sdelay $0x1  }
0xa2: {  	s23 =	simm.s32 $0x1B8B  }
0xa3: {  	_ =	swait.ge [sflag:s23], $0x1  }
0xa4: {  	[sflag:s23] =	ssyncset.done $0x0  }
0xa5: {  	s25 =	simm.s32 $0x1B8E;
	s24 =	sld [smem:$0x3FFE];
	[sflag:s23] =	ssyncadd.s32 $0xFFFFFFFF  }
0xa6: {  	s26 =	simm.s32 $execute0_lowered;
	[smem:$0x3FD2] =	sst s25  }
0xa7: {  	s6 =	sshll.u32 s26, $0x1;
	_ =	strace $0x80000046;
	[dreg:$0x1] =	wrdreg $0xFFFFFFFF  }
0xa8: {  	s28 =	simm.s32 $_size_execute0_lowered;
	s4 =	sadd.s32 s4, s6;
	[dreg:$0x0] =	wrdreg $0x0  }
0xa9: {  	s6 =	sshll.u32 s28, $0x1;
	[dreg:$0x2] =	wrdreg s4  }
0xaa: {  	[dreg:$0x3] =	wrdreg s6  }
0xab: {  	[dreg:$0x4] =	wrdreg $0xC0  }
0xac: {  	_ =	task [dreg:s8], $0x5FFFF  }
0xad: {  	[dreg:$0x1] =	wrdreg $0xFFFFFFFF  }
0xae: {  	[dreg:$0x0] =	wrdreg $0x60  }
0xaf: {  	[dreg:$0x2] =	wrdreg s24  }
0xb0: {  	[dreg:$0x3] =	wrdreg s2  }
0xb1: {  	[dreg:$0x4] =	wrdreg s18  }
0xb2: {  	[dreg:$0x5] =	wrdreg $0x9  }
0xb3: {  	_ =	task.clear_ibuf [dreg:s8], $0x6FFFF;
	_ =	strace $0x90000046  }
0xb4: {  	s29 =	simm.s32 $0x9;
	_ =	strace $0x80000048  }
0xb5: {  	_ =	swait.ge [sflag:s29], $0x1  }
0xb6: {  	[sflag:s29] =	ssyncadd.s32 $0xFFFFFFFF  }
0xb7: {  	_ =	strace $0x90000048  }
0xb8: {  	_ =	sfence  }
0xb9: {  	s30 =	sld [smem:$0x0];
	_ =	sdelay $0x2  }
0xba: {  	s31 =	sshll.u32 s1, $0xD;
	s1 =	sshrl.u32 s1, $0x2  }
0xbb: {  	s3 =	sand.u32 $0x4000, s31;
	s1 =	sadd.s32 s1, s30  }
0xbc: {  	s0 =	sor.u32 s3, s0;
	s1 =	sshll.u32 s1, $0x11  }
0xbd: {  	s0 =	sor.u32 s1, s0  }
0xbe: {  	s0 =	sadd.s32 $0x8F2B, s0  }
0xbf: {  	[sflag:s0] =	ssyncadd.remote.s32 $0x1  }
0xc0: {  	_ =	sfence.sel $0xFFFF  }
0xc1: {  	[dreg:$0x0] =	wrdreg $0xFFFFFFFF;
	(pc) =	sbr.abs _section_cstart, $3  }
0xc2: {  	[dreg:$0x1] =	wrdreg $0xFFFFFFFF  }
0xc3: {  	_ =	task.clear_ibuf [dreg:s8], $0x2FFFF;
	_ =	strace $0x9FFFFFFF  }
0xc4: {  	(tm) =	ssettm $0x7FFFFFFF  }
0xc5: {  	_ =	shalt  }
tec
execute0_lowered:
.L_overlay_start_1:
0x0: {  	(tag) =	ssettag $0x1  }
0x1: {  	s0 =	rddreg [dreg:$0x0]  }
0x2: {  	s1 =	rddreg [dreg:$0x1];
	s3 =	simm.s32 $0x0;
	s2 =	srdreg.scid  }
0x3: {  	s6 =	stileid.u32;
	s19 =	simm.s32 $0x2;
	s23 =	simm.s32 $0x1B400  }
0x4: {  	s24 =	simm.s32 $0x1BC00;
	s25 =	simm.s32 $0x1C400;
	s28 =	simm.s32 $0x1D400  }
0x5: {  	s29 =	simm.s32 $0x1DC00;
	s30 =	simm.s32 $0x1;
	s31 =	simm.s32 $0x0  }
0x6: {  	[smem:$0x7FF] =	sst s3;
	s2 =	sand.u32 $0x1, s2;
	s6 =	sshll.u32 s6, $0x7  }
0x7: {  	s0 =	sadd.s32 $0x400, s0;
	s7 =	sadd.s32 $0x100, s1;
	s8 =	sadd.s32 $0x200, s1  }
0x8: {  	s9 =	sadd.s32 $0x300, s1;
	s10 =	sadd.s32 $0x400, s1;
	s11 =	sadd.s32 $0x500, s1  }
0x9: {  	s12 =	sadd.s32 $0x600, s1;
	s13 =	sadd.s32 $0x700, s1;
	s14 =	sadd.s32 $0x800, s1  }
0xa: {  	s15 =	sadd.s32 $0x900, s1;
	s16 =	sadd.s32 $0xA00, s1;
	s4 =	ssub.s32 $0x2, s2  }
0xb: {  	_ =	strace $0x80000047;
	s2 =	sshll.u32 s2, $0x6;
	s5 =	sshrl.u32 s4, $0x1  }
0xc: {  	v2 =	vlaneseq.u32;
	[dreg:$0x4] =	wrdreg s0;
	s2 =	sor.u32 s2, s6;
	s26 =	ssub.s32 s4, s5  }
0xd: {  	vm0 =	vmmov $0xffff;
	s17 =	sadd.s32 $0xB00, s1;
	v1 =	vshrl.u32 v2, $0x3;
	[dreg:$0x5] =	wrdreg s2;
	s0 =	smax.u32 s26, $0x1  }
0xe: {  	v0 =	vand.u32 $0x7, v2;
	v2 =	vor.u32 $0x8, v2;
	v1 =	vmul.u32 $0x8, v1;
	s2 =	simm.s32 $0x0;
	s26 =	simm.s32 $0x1CC00;
	[dreg:$0x6] =	wrdreg s0  }
.LBB2_1:
0xf: {  	[dreg:$0x7] =	wrdreg s2;
	s0 =	simm.s32 $0x0  }
.LBB2_2:
0x10: {  	s22 =	sshll.u32 s0, $0x3;
	s2 =	rddreg [dreg:$0x5]  }
0x11: {  	[dreg:$0x8] =	wrdreg s0;
	s0 =	sadd.s32 s2, s22  }
0x12: {  	s4 =	rddreg [dreg:$0x4];
	s2 =	sshll.u32 s0, $0x4  }
0x13: {  	s2 =	sadd.s32 s4, s2  }
0x14: {  	[tilespmem:s31], [sflag:$0x2] =	stream.linear.gather [hbm4b:s2+s31], $0x400, $0x38;
	[tilespmem:$0x1E400] =	vst v63  }
0x15: {  	_ =	swait.ge [sflag:s19], $0x400  }
0x16: {  	s0 =	sshrl.u32 s0, $0x3;
	[sflag:s19] =	ssyncset.done $0x0  }
0x17: {  	s0 =	smul.u32 $0x6000, s0;
	s4 =	simm.s32 $0x0;
	[sflag:s19] =	ssyncadd.s32 $0xFFFFFC00  }
.LBB2_3:
0x18: {  	s18 =	sshll.u32 s4, $0x7  }
0x19: {  	s2 =	sand.u32 $0x3FFFFF80, s18  }
0x1a: {  	v3 =	vld [tilespmem:s2+$0x0];
	_ =	sdelay $0x4  }
0x1b: {  	v4 =	vshrl.u32 v3, $0x3  }
0x1c: {  	v4 =	vmul.u32 $0xC0, v4  }
0x1d: {  	v3 =	vand.u32 $0x7, v3  }
0x1e: {  	v3 =	vor.u32 v3, v4  }
0x1f: {  	v4 =	vperm.xlane v3, v0;
	_ =	sdelay $0x1  }
0x20: {  	v4 =	vadd.s32 v1, v4;
	_ =	sdelay $0x3  }
0x21: {  	s5 =	simm.s32 $0x400  }
0x22: {  	[tilespmem:s5], [sflag:$0x1] =	stream.indirect_vreg.gather [hbm4b:s1+s31], $0x80, v4, vm0, $0xb8;
	[tilespmem:$0x1E400] =	vst v63  }
0x23: {  	s20 =	simm.s32 $0xC00  }
0x24: {  	[tilespmem:s20], [sflag:$0x1] =	stream.indirect_vreg.gather [hbm4b:s7+s31], $0x80, v4, vm0, $0xb8;
	[tilespmem:$0x1E400] =	vst v63  }
0x25: {  	s21 =	simm.s32 $0x1400  }
0x26: {  	[tilespmem:s21], [sflag:$0x1] =	stream.indirect_vreg.gather [hbm4b:s8+s31], $0x80, v4, vm0, $0xb8;
	[tilespmem:$0x1E400] =	vst v63  }
0x27: {  	s22 =	simm.s32 $0x1C00  }
0x28: {  	[tilespmem:s22], [sflag:$0x1] =	stream.indirect_vreg.gather [hbm4b:s9+s31], $0x80, v4, vm0, $0xb8;
	[tilespmem:$0x1E400] =	vst v63  }
0x29: {  	s6 =	simm.s32 $0x2400  }
0x2a: {  	[tilespmem:s6], [sflag:$0x1] =	stream.indirect_vreg.gather [hbm4b:s10+s31], $0x80, v4, vm0, $0xb8;
	[tilespmem:$0x1E400] =	vst v63  }
0x2b: {  	s20 =	simm.s32 $0x2C00  }
0x2c: {  	[tilespmem:s20], [sflag:$0x1] =	stream.indirect_vreg.gather [hbm4b:s11+s31], $0x80, v4, vm0, $0xb8;
	[tilespmem:$0x1E400] =	vst v63  }
0x2d: {  	s21 =	simm.s32 $0x3400  }
0x2e: {  	[tilespmem:s21], [sflag:$0x1] =	stream.indirect_vreg.gather [hbm4b:s12+s31], $0x80, v4, vm0, $0xb8;
	[tilespmem:$0x1E400] =	vst v63  }
0x2f: {  	s22 =	simm.s32 $0x3C00  }
0x30: {  	[tilespmem:s22], [sflag:$0x1] =	stream.indirect_vreg.gather [hbm4b:s13+s31], $0x80, v4, vm0, $0xb8;
	[tilespmem:$0x1E400] =	vst v63  }
0x31: {  	s6 =	simm.s32 $0x4400  }
0x32: {  	[tilespmem:s6], [sflag:$0x1] =	stream.indirect_vreg.gather [hbm4b:s14+s31], $0x80, v4, vm0, $0xb8;
	[tilespmem:$0x1E400] =	vst v63  }
0x33: {  	v3 =	vperm.xlane v3, v2;
	s20 =	simm.s32 $0x4C00  }
0x34: {  	[tilespmem:s20], [sflag:$0x1] =	stream.indirect_vreg.gather [hbm4b:s15+s31], $0x80, v4, vm0, $0xb8;
	[tilespmem:$0x1E400] =	vst v63  }
0x35: {  	v3 =	vadd.s32 v1, v3;
	s21 =	simm.s32 $0x5400  }
0x36: {  	[tilespmem:s21], [sflag:$0x1] =	stream.indirect_vreg.gather [hbm4b:s16+s31], $0x80, v4, vm0, $0xb8;
	[tilespmem:$0x1E400] =	vst v63  }
0x37: {  	s22 =	simm.s32 $0x5C00  }
0x38: {  	[tilespmem:s22], [sflag:$0x1] =	stream.indirect_vreg.gather [hbm4b:s17+s31], $0x80, v4, vm0, $0xb8;
	[tilespmem:$0x1E400] =	vst v63  }
0x39: {  	s6 =	simm.s32 $0x6400  }
0x3a: {  	[tilespmem:s6], [sflag:$0x1] =	stream.indirect_vreg.gather [hbm4b:s1+s31], $0x80, v3, vm0, $0xb8;
	[tilespmem:$0x1E400] =	vst v63  }
0x3b: {  	s20 =	simm.s32 $0x6C00  }
0x3c: {  	[tilespmem:s20], [sflag:$0x1] =	stream.indirect_vreg.gather [hbm4b:s7+s31], $0x80, v3, vm0, $0xb8;
	[tilespmem:$0x1E400] =	vst v63  }
0x3d: {  	s21 =	simm.s32 $0x7400  }
0x3e: {  	[tilespmem:s21], [sflag:$0x1] =	stream.indirect_vreg.gather [hbm4b:s8+s31], $0x80, v3, vm0, $0xb8;
	[tilespmem:$0x1E400] =	vst v63  }
0x3f: {  	s22 =	simm.s32 $0x7C00  }
0x40: {  	[tilespmem:s22], [sflag:$0x1] =	stream.indirect_vreg.gather [hbm4b:s9+s31], $0x80, v3, vm0, $0xb8;
	[tilespmem:$0x1E400] =	vst v63  }
0x41: {  	s6 =	simm.s32 $0x8400  }
0x42: {  	[tilespmem:s6], [sflag:$0x1] =	stream.indirect_vreg.gather [hbm4b:s10+s31], $0x80, v3, vm0, $0xb8;
	[tilespmem:$0x1E400] =	vst v63  }
0x43: {  	s20 =	simm.s32 $0x8C00  }
0x44: {  	[tilespmem:s20], [sflag:$0x1] =	stream.indirect_vreg.gather [hbm4b:s11+s31], $0x80, v3, vm0, $0xb8;
	[tilespmem:$0x1E400] =	vst v63  }
0x45: {  	s21 =	simm.s32 $0x9400  }
0x46: {  	[tilespmem:s21], [sflag:$0x1] =	stream.indirect_vreg.gather [hbm4b:s12+s31], $0x80, v3, vm0, $0xb8;
	[tilespmem:$0x1E400] =	vst v63  }
0x47: {  	s22 =	simm.s32 $0x9C00  }
0x48: {  	[tilespmem:s22], [sflag:$0x1] =	stream.indirect_vreg.gather [hbm4b:s13+s31], $0x80, v3, vm0, $0xb8;
	[tilespmem:$0x1E400] =	vst v63  }
0x49: {  	s6 =	simm.s32 $0xA400  }
0x4a: {  	[tilespmem:s6], [sflag:$0x1] =	stream.indirect_vreg.gather [hbm4b:s14+s31], $0x80, v3, vm0, $0xb8;
	[tilespmem:$0x1E400] =	vst v63  }
0x4b: {  	s20 =	simm.s32 $0xAC00  }
0x4c: {  	[tilespmem:s20], [sflag:$0x1] =	stream.indirect_vreg.gather [hbm4b:s15+s31], $0x80, v3, vm0, $0xb8;
	[tilespmem:$0x1E400] =	vst v63  }
0x4d: {  	s21 =	simm.s32 $0xB400  }
0x4e: {  	[tilespmem:s21], [sflag:$0x1] =	stream.indirect_vreg.gather [hbm4b:s16+s31], $0x80, v3, vm0, $0xb8;
	[tilespmem:$0x1E400] =	vst v63  }
0x4f: {  	s22 =	simm.s32 $0xBC00  }
0x50: {  	[tilespmem:s22], [sflag:$0x1] =	stream.indirect_vreg.gather [hbm4b:s17+s31], $0x80, v3, vm0, $0xb8;
	[tilespmem:$0x1E400] =	vst v63  }
0x51: {  	v3 =	vld [tilespmem:s2+$0x10];
	_ =	sdelay $0x4  }
0x52: {  	v4 =	vshrl.u32 v3, $0x3  }
0x53: {  	v4 =	vmul.u32 $0xC0, v4  }
0x54: {  	v3 =	vand.u32 $0x7, v3  }
0x55: {  	v3 =	vor.u32 v3, v4  }
0x56: {  	v4 =	vperm.xlane v3, v0;
	_ =	sdelay $0x1  }
0x57: {  	v4 =	vadd.s32 v1, v4;
	_ =	sdelay $0x3  }
0x58: {  	s6 =	simm.s32 $0xC400  }
0x59: {  	[tilespmem:s6], [sflag:$0x1] =	stream.indirect_vreg.gather [hbm4b:s1+s31], $0x80, v4, vm0, $0xb8;
	[tilespmem:$0x1E400] =	vst v63  }
0x5a: {  	s20 =	simm.s32 $0xCC00  }
0x5b: {  	[tilespmem:s20], [sflag:$0x1] =	stream.indirect_vreg.gather [hbm4b:s7+s31], $0x80, v4, vm0, $0xb8;
	[tilespmem:$0x1E400] =	vst v63  }
0x5c: {  	s21 =	simm.s32 $0xD400  }
0x5d: {  	[tilespmem:s21], [sflag:$0x1] =	stream.indirect_vreg.gather [hbm4b:s8+s31], $0x80, v4, vm0, $0xb8;
	[tilespmem:$0x1E400] =	vst v63  }
0x5e: {  	s22 =	simm.s32 $0xDC00  }
0x5f: {  	[tilespmem:s22], [sflag:$0x1] =	stream.indirect_vreg.gather [hbm4b:s9+s31], $0x80, v4, vm0, $0xb8;
	[tilespmem:$0x1E400] =	vst v63  }
0x60: {  	s6 =	simm.s32 $0xE400  }
0x61: {  	[tilespmem:s6], [sflag:$0x1] =	stream.indirect_vreg.gather [hbm4b:s10+s31], $0x80, v4, vm0, $0xb8;
	[tilespmem:$0x1E400] =	vst v63  }
0x62: {  	s20 =	simm.s32 $0xEC00  }
0x63: {  	[tilespmem:s20], [sflag:$0x1] =	stream.indirect_vreg.gather [hbm4b:s11+s31], $0x80, v4, vm0, $0xb8;
	[tilespmem:$0x1E400] =	vst v63  }
0x64: {  	s21 =	simm.s32 $0xF400  }
0x65: {  	[tilespmem:s21], [sflag:$0x1] =	stream.indirect_vreg.gather [hbm4b:s12+s31], $0x80, v4, vm0, $0xb8;
	[tilespmem:$0x1E400] =	vst v63  }
0x66: {  	s22 =	simm.s32 $0xFC00  }
0x67: {  	[tilespmem:s22], [sflag:$0x1] =	stream.indirect_vreg.gather [hbm4b:s13+s31], $0x80, v4, vm0, $0xb8;
	[tilespmem:$0x1E400] =	vst v63  }
0x68: {  	s6 =	simm.s32 $0x10400  }
0x69: {  	[tilespmem:s6], [sflag:$0x1] =	stream.indirect_vreg.gather [hbm4b:s14+s31], $0x80, v4, vm0, $0xb8;
	[tilespmem:$0x1E400] =	vst v63  }
0x6a: {  	v3 =	vperm.xlane v3, v2;
	s20 =	simm.s32 $0x10C00  }
0x6b: {  	[tilespmem:s20], [sflag:$0x1] =	stream.indirect_vreg.gather [hbm4b:s15+s31], $0x80, v4, vm0, $0xb8;
	[tilespmem:$0x1E400] =	vst v63  }
0x6c: {  	v3 =	vadd.s32 v1, v3;
	s21 =	simm.s32 $0x11400  }
0x6d: {  	[tilespmem:s21], [sflag:$0x1] =	stream.indirect_vreg.gather [hbm4b:s16+s31], $0x80, v4, vm0, $0xb8;
	[tilespmem:$0x1E400] =	vst v63  }
0x6e: {  	s22 =	simm.s32 $0x11C00  }
0x6f: {  	[tilespmem:s22], [sflag:$0x1] =	stream.indirect_vreg.gather [hbm4b:s17+s31], $0x80, v4, vm0, $0xb8;
	[tilespmem:$0x1E400] =	vst v63  }
0x70: {  	s6 =	simm.s32 $0x12400  }
0x71: {  	[tilespmem:s6], [sflag:$0x1] =	stream.indirect_vreg.gather [hbm4b:s1+s31], $0x80, v3, vm0, $0xb8;
	[tilespmem:$0x1E400] =	vst v63  }
0x72: {  	s20 =	simm.s32 $0x12C00  }
0x73: {  	[tilespmem:s20], [sflag:$0x1] =	stream.indirect_vreg.gather [hbm4b:s7+s31], $0x80, v3, vm0, $0xb8;
	[tilespmem:$0x1E400] =	vst v63  }
0x74: {  	s21 =	simm.s32 $0x13400  }
0x75: {  	[tilespmem:s21], [sflag:$0x1] =	stream.indirect_vreg.gather [hbm4b:s8+s31], $0x80, v3, vm0, $0xb8;
	[tilespmem:$0x1E400] =	vst v63  }
0x76: {  	s22 =	simm.s32 $0x13C00  }
0x77: {  	[tilespmem:s22], [sflag:$0x1] =	stream.indirect_vreg.gather [hbm4b:s9+s31], $0x80, v3, vm0, $0xb8;
	[tilespmem:$0x1E400] =	vst v63  }
0x78: {  	s6 =	simm.s32 $0x14400  }
0x79: {  	[tilespmem:s6], [sflag:$0x1] =	stream.indirect_vreg.gather [hbm4b:s10+s31], $0x80, v3, vm0, $0xb8;
	[tilespmem:$0x1E400] =	vst v63  }
0x7a: {  	s20 =	simm.s32 $0x14C00  }
0x7b: {  	[tilespmem:s20], [sflag:$0x1] =	stream.indirect_vreg.gather [hbm4b:s11+s31], $0x80, v3, vm0, $0xb8;
	[tilespmem:$0x1E400] =	vst v63  }
0x7c: {  	s21 =	simm.s32 $0x15400  }
0x7d: {  	[tilespmem:s21], [sflag:$0x1] =	stream.indirect_vreg.gather [hbm4b:s12+s31], $0x80, v3, vm0, $0xb8;
	[tilespmem:$0x1E400] =	vst v63  }
0x7e: {  	s22 =	simm.s32 $0x15C00  }
0x7f: {  	[tilespmem:s22], [sflag:$0x1] =	stream.indirect_vreg.gather [hbm4b:s13+s31], $0x80, v3, vm0, $0xb8;
	[tilespmem:$0x1E400] =	vst v63  }
0x80: {  	s6 =	simm.s32 $0x16400  }
0x81: {  	[tilespmem:s6], [sflag:$0x1] =	stream.indirect_vreg.gather [hbm4b:s14+s31], $0x80, v3, vm0, $0xb8;
	[tilespmem:$0x1E400] =	vst v63  }
0x82: {  	s20 =	simm.s32 $0x16C00  }
0x83: {  	[tilespmem:s20], [sflag:$0x1] =	stream.indirect_vreg.gather [hbm4b:s15+s31], $0x80, v3, vm0, $0xb8;
	[tilespmem:$0x1E400] =	vst v63  }
0x84: {  	s21 =	simm.s32 $0x17400  }
0x85: {  	[tilespmem:s21], [sflag:$0x1] =	stream.indirect_vreg.gather [hbm4b:s16+s31], $0x80, v3, vm0, $0xb8;
	[tilespmem:$0x1E400] =	vst v63  }
0x86: {  	s2 =	sor.u32 $0x20, s2;
	s22 =	simm.s32 $0x17C00  }
0x87: {  	[tilespmem:s22], [sflag:$0x1] =	stream.indirect_vreg.gather [hbm4b:s17+s31], $0x80, v3, vm0, $0xb8;
	[tilespmem:$0x1E400] =	vst v63  }
0x88: {  	v3 =	vld.msk [tilespmem:s2+$0x0], $0xff;
	_ =	sdelay $0x4  }
0x89: {  	v4 =	vshrl.u32 v3, $0x3  }
0x8a: {  	v4 =	vmul.u32 $0xC0, v4  }
0x8b: {  	v3 =	vand.u32 $0x7, v3  }
0x8c: {  	v3 =	vor.u32 v3, v4  }
0x8d: {  	v3 =	vperm.xlane v3, v0;
	_ =	sdelay $0x1  }
0x8e: {  	v3 =	vadd.s32 v1, v3;
	_ =	sdelay $0x3  }
0x8f: {  	s5 =	simm.s32 $0x18400  }
0x90: {  	[tilespmem:s5], [sflag:$0x1] =	stream.indirect_vreg.gather [hbm4b:s1+s31], $0x80, v3, vm0, $0xb8;
	[tilespmem:$0x1E400] =	vst v63  }
0x91: {  	s6 =	simm.s32 $0x18C00  }
0x92: {  	[tilespmem:s6], [sflag:$0x1] =	stream.indirect_vreg.gather [hbm4b:s7+s31], $0x80, v3, vm0, $0xb8;
	[tilespmem:$0x1E400] =	vst v63  }
0x93: {  	s20 =	simm.s32 $0x19400  }
0x94: {  	[tilespmem:s20], [sflag:$0x1] =	stream.indirect_vreg.gather [hbm4b:s8+s31], $0x80, v3, vm0, $0xb8;
	[tilespmem:$0x1E400] =	vst v63  }
0x95: {  	s21 =	simm.s32 $0x19C00  }
0x96: {  	[tilespmem:s21], [sflag:$0x1] =	stream.indirect_vreg.gather [hbm4b:s9+s31], $0x80, v3, vm0, $0xb8;
	[tilespmem:$0x1E400] =	vst v63  }
0x97: {  	s22 =	simm.s32 $0x1A400  }
0x98: {  	[tilespmem:s22], [sflag:$0x1] =	stream.indirect_vreg.gather [hbm4b:s10+s31], $0x80, v3, vm0, $0xb8;
	[tilespmem:$0x1E400] =	vst v63  }
0x99: {  	s5 =	simm.s32 $0x1AC00  }
0x9a: {  	[tilespmem:s5], [sflag:$0x1] =	stream.indirect_vreg.gather [hbm4b:s11+s31], $0x80, v3, vm0, $0xb8;
	[tilespmem:$0x1E400] =	vst v63  }
0x9b: {  	_ = 	snop  }
0x9c: {  	[tilespmem:s23], [sflag:$0x1] =	stream.indirect_vreg.gather [hbm4b:s12+s31], $0x80, v3, vm0, $0xb8;
	[tilespmem:$0x1E400] =	vst v63  }
0x9d: {  	_ = 	snop  }
0x9e: {  	[tilespmem:s24], [sflag:$0x1] =	stream.indirect_vreg.gather [hbm4b:s13+s31], $0x80, v3, vm0, $0xb8;
	[tilespmem:$0x1E400] =	vst v63  }
0x9f: {  	_ = 	snop  }
0xa0: {  	[tilespmem:s25], [sflag:$0x1] =	stream.indirect_vreg.gather [hbm4b:s14+s31], $0x80, v3, vm0, $0xb8;
	[tilespmem:$0x1E400] =	vst v63  }
0xa1: {  	_ = 	snop  }
0xa2: {  	[tilespmem:s26], [sflag:$0x1] =	stream.indirect_vreg.gather [hbm4b:s15+s31], $0x80, v3, vm0, $0xb8;
	[tilespmem:$0x1E400] =	vst v63  }
0xa3: {  	_ = 	snop  }
0xa4: {  	[tilespmem:s28], [sflag:$0x1] =	stream.indirect_vreg.gather [hbm4b:s16+s31], $0x80, v3, vm0, $0xb8;
	[tilespmem:$0x1E400] =	vst v63  }
0xa5: {  	_ = 	snop  }
0xa6: {  	[tilespmem:s29], [sflag:$0x1] =	stream.indirect_vreg.gather [hbm4b:s17+s31], $0x80, v3, vm0, $0xb8;
	[tilespmem:$0x1E400] =	vst v63  }
0xa7: {  	_ =	swait.ge [sflag:s30], $0x1E000  }
0xa8: {  	s6 =	sand.u32 $0x70, s31;
	s20 =	sand.u32 $0x7C00, s31;
	[sflag:s30] =	ssyncset.done $0x0  }
0xa9: {  	s5 =	sor.u32 s6, s20;
	[sflag:s30] =	ssyncadd.s32 $0xFFFE2000  }
0xaa: {  	v3 =	vld [tilespmem:s5+$0x480]  }
0xab: {  	v4 =	vld [tilespmem:s5+$0x400];
	_ =	sdelay $0x1  }
0xac: {  	v5 =	vld [tilespmem:s5+$0x500];
	_ =	sdelay $0x1  }
0xad: {  	v6 =	vld [tilespmem:s5+$0x580]  }
0xae: {  	v3 =	vadd.f32 v3, v4  }
0xaf: {  	v4 =	vld [tilespmem:s5+$0x600]  }
0xb0: {  	v3 =	vadd.f32 v5, v3  }
0xb1: {  	s21 =	sand.u32 $0x7, s31;
	v5 =	vld [tilespmem:s5+$0x680]  }
0xb2: {  	s2 =	sshll.u32 s21, $0x4;
	v3 =	vadd.f32 v6, v3  }
0xb3: {  	s2 =	sadd.s32 $0x0, s2;
	v53 =	vld [tilespmem:s5+$0x700]  }
0xb4: {  	s2 =	sor.u32 $0x380, s2;
	v3 =	vadd.f32 v4, v3  }
0xb5: {  	v4 =	vld [tilespmem:s2+$0x400]  }
0xb6: {  	v3 =	vadd.f32 v5, v3  }
0xb7: {  	v5 =	vld [tilespmem:s5+$0x6400]  }
0xb8: {  	v3 =	vadd.f32 v53, v3  }
0xb9: {  	v54 =	vld [tilespmem:s5+$0x6480]  }
0xba: {  	v3 =	vadd.f32 v4, v3  }
0xbb: {  	v4 =	vld [tilespmem:s5+$0x6500]  }
0xbc: {  	v3 =	vadd.f32 v5, v3  }
0xbd: {  	v5 =	vld [tilespmem:s5+$0x6580]  }
0xbe: {  	v3 =	vadd.f32 v54, v3  }
0xbf: {  	v55 =	vld [tilespmem:s5+$0x6600]  }
0xc0: {  	v3 =	vadd.f32 v4, v3  }
0xc1: {  	v4 =	vld [tilespmem:s5+$0x6680]  }
0xc2: {  	v3 =	vadd.f32 v5, v3  }
0xc3: {  	v5 =	vld [tilespmem:s5+$0x6700]  }
0xc4: {  	v3 =	vadd.f32 v55, v3  }
0xc5: {  	v56 =	vld [tilespmem:s5+$0x6780]  }
0xc6: {  	v3 =	vadd.f32 v4, v3  }
0xc7: {  	v4 =	vld [tilespmem:s5+$0xC400]  }
0xc8: {  	v3 =	vadd.f32 v5, v3  }
0xc9: {  	v5 =	vld [tilespmem:s5+$0xC480]  }
0xca: {  	v3 =	vadd.f32 v56, v3  }
0xcb: {  	v57 =	vld [tilespmem:s5+$0xC500]  }
0xcc: {  	v3 =	vadd.f32 v4, v3  }
0xcd: {  	v4 =	vld [tilespmem:s5+$0xC580]  }
0xce: {  	v3 =	vadd.f32 v5, v3  }
0xcf: {  	v5 =	vld [tilespmem:s5+$0xC600]  }
0xd0: {  	v3 =	vadd.f32 v57, v3  }
0xd1: {  	v58 =	vld [tilespmem:s5+$0xC680]  }
0xd2: {  	v3 =	vadd.f32 v4, v3  }
0xd3: {  	v4 =	vld [tilespmem:s5+$0xC700]  }
0xd4: {  	v3 =	vadd.f32 v5, v3  }
0xd5: {  	v5 =	vld [tilespmem:s5+$0xC780]  }
0xd6: {  	v3 =	vadd.f32 v58, v3  }
0xd7: {  	v59 =	vld [tilespmem:s5+$0x12400]  }
0xd8: {  	v3 =	vadd.f32 v4, v3  }
0xd9: {  	v4 =	vld [tilespmem:s5+$0x12480]  }
0xda: {  	v3 =	vadd.f32 v5, v3  }
0xdb: {  	v5 =	vld [tilespmem:s5+$0x12500]  }
0xdc: {  	v3 =	vadd.f32 v59, v3  }
0xdd: {  	v60 =	vld [tilespmem:s5+$0x12580]  }
0xde: {  	v3 =	vadd.f32 v4, v3  }
0xdf: {  	v4 =	vld [tilespmem:s5+$0x12600]  }
0xe0: {  	v3 =	vadd.f32 v5, v3  }
0xe1: {  	v5 =	vld [tilespmem:s5+$0x12680]  }
0xe2: {  	v3 =	vadd.f32 v60, v3  }
0xe3: {  	v61 =	vld [tilespmem:s5+$0x12700]  }
0xe4: {  	v3 =	vadd.f32 v4, v3  }
0xe5: {  	v4 =	vld [tilespmem:s5+$0x12780]  }
0xe6: {  	v3 =	vadd.f32 v5, v3  }
0xe7: {  	v5 =	vld [tilespmem:s5+$0x18400]  }
0xe8: {  	v3 =	vadd.f32 v61, v3  }
0xe9: {  	v62 =	vld [tilespmem:s5+$0x18480]  }
0xea: {  	v3 =	vadd.f32 v4, v3  }
0xeb: {  	v4 =	vld [tilespmem:s5+$0x18500]  }
0xec: {  	v3 =	vadd.f32 v5, v3  }
0xed: {  	v5 =	vld [tilespmem:s5+$0x18580]  }
0xee: {  	v3 =	vadd.f32 v62, v3  }
0xef: {  	v63 =	vld [tilespmem:s5+$0x18600]  }
0xf0: {  	v3 =	vadd.f32 v4, v3;
	_ =	sdelay $0x1  }
0xf1: {  	v3 =	vadd.f32 v5, v3  }
0xf2: {  	s22 =	simm.s32 $0x10;
	s6 =	simm.s32 $0x80  }
0xf3: {  	s20 =	sand.u32 $0x7C00, s6;
	s2 =	sand.u32 $0x70, s22;
	v3 =	vadd.f32 v63, v3  }
0xf4: {  	s21 =	sor.u32 s2, s20;
	s20 =	simm.s32 $0x20;
	s2 =	simm.s32 $0x0  }
.LBB2_4:
0xf5: {  	p0 =	sne.s32 s20, $0xBF0;
	v4 =	vld [tilespmem:s21+$0x480];
	[tilespmem:s5+$0x400] =	vst v3;
	s5 =	smov.u32 s21  }
0xf6: {  	v3 =	vld [tilespmem:s5+$0x400];
	_ =	sdelay $0x1  }
0xf7: {  	v5 =	vld [tilespmem:s5+$0x500];
	_ =	sdelay $0x1  }
0xf8: {  	v6 =	vld [tilespmem:s5+$0x580]  }
0xf9: {  	v3 =	vadd.f32 v4, v3  }
0xfa: {  	v4 =	vld [tilespmem:s5+$0x600]  }
0xfb: {  	s2 =	sadd.s32 $0x1, s2;
	v3 =	vadd.f32 v5, v3  }
0xfc: {  	s21 =	sand.u32 $0x7, s2;
	v5 =	vld [tilespmem:s5+$0x680]  }
0xfd: {  	s21 =	sshll.u32 s21, $0x4;
	v3 =	vadd.f32 v6, v3  }
0xfe: {  	s21 =	sadd.s32 s21, s6;
	v6 =	vld [tilespmem:s5+$0x700]  }
0xff: {  	s21 =	sor.u32 $0x380, s21;
	v3 =	vadd.f32 v4, v3  }
0x100: {  	v4 =	vld [tilespmem:s21+$0x400]  }
0x101: {  	v3 =	vadd.f32 v5, v3  }
0x102: {  	v5 =	vld [tilespmem:s5+$0x6400]  }
0x103: {  	v3 =	vadd.f32 v6, v3  }
0x104: {  	v6 =	vld [tilespmem:s5+$0x6480]  }
0x105: {  	v3 =	vadd.f32 v4, v3  }
0x106: {  	v4 =	vld [tilespmem:s5+$0x6500]  }
0x107: {  	v3 =	vadd.f32 v5, v3  }
0x108: {  	v5 =	vld [tilespmem:s5+$0x6580]  }
0x109: {  	v3 =	vadd.f32 v6, v3  }
0x10a: {  	v6 =	vld [tilespmem:s5+$0x6600]  }
0x10b: {  	v3 =	vadd.f32 v4, v3  }
0x10c: {  	v4 =	vld [tilespmem:s5+$0x6680]  }
0x10d: {  	v3 =	vadd.f32 v5, v3  }
0x10e: {  	v5 =	vld [tilespmem:s5+$0x6700]  }
0x10f: {  	v3 =	vadd.f32 v6, v3  }
0x110: {  	v6 =	vld [tilespmem:s5+$0x6780]  }
0x111: {  	v3 =	vadd.f32 v4, v3  }
0x112: {  	v4 =	vld [tilespmem:s5+$0xC400]  }
0x113: {  	v3 =	vadd.f32 v5, v3  }
0x114: {  	v5 =	vld [tilespmem:s5+$0xC480]  }
0x115: {  	v3 =	vadd.f32 v6, v3  }
0x116: {  	v6 =	vld [tilespmem:s5+$0xC500]  }
0x117: {  	v3 =	vadd.f32 v4, v3  }
0x118: {  	v4 =	vld [tilespmem:s5+$0xC580]  }
0x119: {  	v3 =	vadd.f32 v5, v3  }
0x11a: {  	v5 =	vld [tilespmem:s5+$0xC600]  }
0x11b: {  	v3 =	vadd.f32 v6, v3  }
0x11c: {  	v6 =	vld [tilespmem:s5+$0xC680]  }
0x11d: {  	v3 =	vadd.f32 v4, v3  }
0x11e: {  	v4 =	vld [tilespmem:s5+$0xC700]  }
0x11f: {  	v3 =	vadd.f32 v5, v3  }
0x120: {  	v5 =	vld [tilespmem:s5+$0xC780]  }
0x121: {  	v3 =	vadd.f32 v6, v3  }
0x122: {  	v6 =	vld [tilespmem:s5+$0x12400]  }
0x123: {  	v3 =	vadd.f32 v4, v3  }
0x124: {  	v4 =	vld [tilespmem:s5+$0x12480]  }
0x125: {  	v3 =	vadd.f32 v5, v3  }
0x126: {  	v5 =	vld [tilespmem:s5+$0x12500]  }
0x127: {  	v3 =	vadd.f32 v6, v3  }
0x128: {  	v6 =	vld [tilespmem:s5+$0x12580]  }
0x129: {  	v3 =	vadd.f32 v4, v3  }
0x12a: {  	v4 =	vld [tilespmem:s5+$0x12600]  }
0x12b: {  	v3 =	vadd.f32 v5, v3  }
0x12c: {  	v5 =	vld [tilespmem:s5+$0x12680]  }
0x12d: {  	v3 =	vadd.f32 v6, v3  }
0x12e: {  	v6 =	vld [tilespmem:s5+$0x12700]  }
0x12f: {  	v3 =	vadd.f32 v4, v3  }
0x130: {  	v4 =	vld [tilespmem:s5+$0x12780]  }
0x131: {  	v3 =	vadd.f32 v5, v3  }
0x132: {  	v5 =	vld [tilespmem:s5+$0x18400]  }
0x133: {  	v3 =	vadd.f32 v6, v3  }
0x134: {  	v6 =	vld [tilespmem:s5+$0x18480]  }
0x135: {  	v3 =	vadd.f32 v4, v3  }
0x136: {  	v4 =	vld [tilespmem:s5+$0x18500]  }
0x137: {  	v3 =	vadd.f32 v5, v3  }
0x138: {  	v5 =	vld [tilespmem:s5+$0x18580]  }
0x139: {  	v3 =	vadd.f32 v6, v3  }
0x13a: {  	v6 =	vld [tilespmem:s5+$0x18600]  }
0x13b: {  	v3 =	vadd.f32 v4, v3  }
.Ltmp0:
0x13c: {  	(pc) =	sbr.rel @p0 .LBB2_4-.Ltmp0, $4  }
0x13d: {  	v3 =	vadd.f32 v5, v3  }
0x13e: {  	s6 =	sadd.s32 $0x80, s6  }
0x13f: {  	s22 =	sand.u32 $0x7C00, s6;
	s21 =	sand.u32 $0x70, s20;
	v3 =	vadd.f32 v6, v3  }
0x140: {  	s20 =	sadd.s32 $0x10, s20;
	s21 =	sor.u32 s21, s22  }
0x141: {  	v4 =	vld [tilespmem:s21+$0x480];
	[tilespmem:s5+$0x400] =	vst v3  }
0x142: {  	v3 =	vld [tilespmem:s21+$0x400];
	_ =	sdelay $0x1  }
0x143: {  	v5 =	vld [tilespmem:s21+$0x500];
	_ =	sdelay $0x1  }
0x144: {  	v6 =	vld [tilespmem:s21+$0x580]  }
0x145: {  	v3 =	vadd.f32 v4, v3  }
0x146: {  	v31 =	vld [tilespmem:s21+$0x600]  }
0x147: {  	s2 =	sadd.s32 $0x1, s2;
	v3 =	vadd.f32 v5, v3  }
0x148: {  	v32 =	vld [tilespmem:s21+$0x680];
	s2 =	sand.u32 $0x7, s2  }
0x149: {  	s2 =	sshll.u32 s2, $0x4;
	v3 =	vadd.f32 v6, v3  }
0x14a: {  	v33 =	vld [tilespmem:s21+$0x700];
	s2 =	sadd.s32 s2, s6  }
0x14b: {  	s2 =	sor.u32 $0x380, s2;
	v3 =	vadd.f32 v31, v3  }
0x14c: {  	v34 =	vld [tilespmem:s2+$0x400]  }
0x14d: {  	v3 =	vadd.f32 v32, v3  }
0x14e: {  	v35 =	vld [tilespmem:s21+$0x6400]  }
0x14f: {  	v3 =	vadd.f32 v33, v3  }
0x150: {  	v36 =	vld [tilespmem:s21+$0x6480]  }
0x151: {  	v3 =	vadd.f32 v34, v3  }
0x152: {  	v37 =	vld [tilespmem:s21+$0x6500]  }
0x153: {  	v3 =	vadd.f32 v35, v3  }
0x154: {  	v38 =	vld [tilespmem:s21+$0x6580]  }
0x155: {  	v3 =	vadd.f32 v36, v3  }
0x156: {  	v39 =	vld [tilespmem:s21+$0x6600]  }
0x157: {  	v3 =	vadd.f32 v37, v3  }
0x158: {  	v40 =	vld [tilespmem:s21+$0x6680]  }
0x159: {  	v3 =	vadd.f32 v38, v3  }
0x15a: {  	v41 =	vld [tilespmem:s21+$0x6700]  }
0x15b: {  	v3 =	vadd.f32 v39, v3  }
0x15c: {  	v42 =	vld [tilespmem:s21+$0x6780]  }
0x15d: {  	v3 =	vadd.f32 v40, v3  }
0x15e: {  	v43 =	vld [tilespmem:s21+$0xC400]  }
0x15f: {  	v3 =	vadd.f32 v41, v3  }
0x160: {  	v44 =	vld [tilespmem:s21+$0xC480]  }
0x161: {  	v3 =	vadd.f32 v42, v3  }
0x162: {  	v45 =	vld [tilespmem:s21+$0xC500]  }
0x163: {  	v3 =	vadd.f32 v43, v3  }
0x164: {  	v46 =	vld [tilespmem:s21+$0xC580]  }
0x165: {  	v3 =	vadd.f32 v44, v3  }
0x166: {  	v47 =	vld [tilespmem:s21+$0xC600]  }
0x167: {  	v3 =	vadd.f32 v45, v3  }
0x168: {  	v48 =	vld [tilespmem:s21+$0xC680]  }
0x169: {  	v3 =	vadd.f32 v46, v3  }
0x16a: {  	v49 =	vld [tilespmem:s21+$0xC700]  }
0x16b: {  	v3 =	vadd.f32 v47, v3  }
0x16c: {  	v50 =	vld [tilespmem:s21+$0xC780]  }
0x16d: {  	v3 =	vadd.f32 v48, v3  }
0x16e: {  	v51 =	vld [tilespmem:s21+$0x12400]  }
0x16f: {  	v3 =	vadd.f32 v49, v3  }
0x170: {  	v52 =	vld [tilespmem:s21+$0x12480]  }
0x171: {  	v3 =	vadd.f32 v50, v3  }
0x172: {  	v53 =	vld [tilespmem:s21+$0x12500]  }
0x173: {  	v3 =	vadd.f32 v51, v3  }
0x174: {  	v54 =	vld [tilespmem:s21+$0x12580]  }
0x175: {  	v3 =	vadd.f32 v52, v3  }
0x176: {  	v55 =	vld [tilespmem:s21+$0x12600]  }
0x177: {  	v3 =	vadd.f32 v53, v3  }
0x178: {  	v56 =	vld [tilespmem:s21+$0x12680]  }
0x179: {  	v3 =	vadd.f32 v54, v3  }
0x17a: {  	v57 =	vld [tilespmem:s21+$0x12700]  }
0x17b: {  	v3 =	vadd.f32 v55, v3  }
0x17c: {  	v58 =	vld [tilespmem:s21+$0x12780]  }
0x17d: {  	v3 =	vadd.f32 v56, v3  }
0x17e: {  	v59 =	vld [tilespmem:s21+$0x18400]  }
0x17f: {  	v3 =	vadd.f32 v57, v3  }
0x180: {  	v60 =	vld [tilespmem:s21+$0x18480]  }
0x181: {  	v3 =	vadd.f32 v58, v3  }
0x182: {  	v61 =	vld [tilespmem:s21+$0x18500]  }
0x183: {  	v3 =	vadd.f32 v59, v3  }
0x184: {  	v62 =	vld [tilespmem:s21+$0x18580]  }
0x185: {  	v3 =	vadd.f32 v60, v3  }
0x186: {  	v63 =	vld [tilespmem:s21+$0x18600]  }
0x187: {  	v3 =	vadd.f32 v61, v3;
	_ =	sdelay $0x1  }
0x188: {  	v3 =	vadd.f32 v62, v3  }
0x189: {  	s20 =	sadd.s32 s0, s18  }
0x18a: {  	s22 =	rddreg [dreg:$0x2];
	s2 =	sshrl.u32 s20, $0x3;
	v3 =	vadd.f32 v63, v3  }
0x18b: {  	s5 =	simm.s32 $0x400;
	s2 =	sadd.s32 s22, s2  }
0x18c: {  	s18 =	simm.s32 $0x800;
	s6 =	simm.s32 $0x80;
	s20 =	sadd.s32 $0x0, s2;
	[tilespmem:s21+$0x400] =	vst v3  }
.LBB2_6:
0x18d: {  	[hbm4b:s20+s3] =	stream.linear.scatter [tilespmem:s5], [sflag:$0x2], $0x80, $0x38;
	[tilespmem:$0x1E400] =	vst v63  }
0x18e: {  	s20 =	smov.u32 s6;
	s5 =	smov.u32 s18;
	p0 =	sne.s32 s6, $0xB80  }
.Ltmp1:
0x18f: {  	s6 =	sadd.s32 $0x80, s6;
	(pc) =	sbr.rel @p0 .LBB2_6-.Ltmp1, $2  }
0x190: {  	_ =	sdelay $0x2  }
0x191: {  	s18 =	sadd.s32 $0x400, s18;
	s20 =	sadd.s32 s20, s2  }
0x192: {  	s4 =	sadd.s32 $0x1, s4  }
0x193: {  	p0 =	sne.s32 s4, $0x8  }
.Ltmp2:
0x194: {  	_ = 	snop;
	(pc) =	sbr.rel @p0 .LBB2_3-.Ltmp2, $4  }
0x195: {  	[hbm4b:s20+s3] =	stream.linear.scatter [tilespmem:s5], [sflag:$0x2], $0x80, $0x38;
	[tilespmem:$0x1E400] =	vst v63  }
0x196: {  	_ =	swait.ge [sflag:s19], $0xC00  }
0x197: {  	[sflag:s19] =	ssyncset.done $0x0  }
0x198: {  	[sflag:s19] =	ssyncadd.s32 $0xFFFFF400  }
0x199: {  	s0 =	rddreg [dreg:$0x8]  }
0x19a: {  	s0 =	sadd.s32 $0x1, s0  }
0x19b: {  	p0 =	sne.s32 s0, $0x8  }
.Ltmp3:
0x19c: {  	_ = 	snop;
	(pc) =	sbr.rel @p0 .LBB2_2-.Ltmp3, $1  }
0x19d: {  	_ =	sdelay $0x3  }
0x19e: {  	s2 =	rddreg [dreg:$0x7]  }
0x19f: {  	s0 =	rddreg [dreg:$0x6];
	s2 =	sadd.s32 $0x1, s2  }
0x1a0: {  	p0 =	sne.s32 s2, s0  }
.Ltmp4:
0x1a1: {  	_ = 	snop;
	(pc) =	sbr.rel @p0 .LBB2_1-.Ltmp4, $1  }
0x1a2: {  	_ =	sdelay $0x3  }
0x1a3: {  	_ =	sfence.sel $0x180000  }
0x1a4: {  	[bflag:$0x0] =	sbarrier.arrive $0xFFFF  }
0x1a5: {  	_ =	strace $0x90000047  }
0x1a6: {  	s0 =	stileid.u32;
	[bflag:$0x2] =	sbarrier.arrive $0xFFFF  }
0x1a7: {  	p0 =	sne.s32 s0, $0x0;
	s0 =	rddreg [dreg:$0x3]  }
0x1a8: {  	s0 =	sadd.s32 @!p0 $0x100000, s0  }
0x1a9: {  	[sflag:s0] =	ssyncadd.tile.s32 @!p0 $0x1;
	_ =	shalt  }
.Lfunc_end2:
_tile_overlayer_lowered:
.L_overlay_start_2:
0x1aa: {  	(tag) =	ssettag $0x2  }
0x1ab: {  	s0 =	rddreg [dreg:$0x0];
	s2 =	stileid.u32  }
0x1ac: {  	s1 =	rddreg [dreg:$0x1];
	p0 =	sne.s32 s2, $0x0  }
0x1ad: {  	s3 =	rddreg [dreg:$0x2];
	[bflag:$0x3] =	sbarrier.arrive $0xFFFF;
	s2 =	simm.s32 @!p0 $0x1C02  }
0x1ae: {  	[timem:s3], [sflag:s2] =	dma.local @!p0 [hbm:s0], s1  }
0x1af: {  	s0 =	simm.s32 @!p0 $0x2  }
0x1b0: {  	_ =	swait.ge @!p0 [sflag:s0], s1  }
0x1b1: {  	s1 =	ssub.s32 @!p0 $0x0, s1;
	[sflag:s0] =	ssyncset.done @!p0 $0x0  }
0x1b2: {  	[sflag:s0] =	ssyncadd.s32 @!p0 s1  }
0x1b3: {  	[bflag:$0x3] =	sbarrier.arrive $0xFFFF  }
0x1b4: {  	_ =	shalt  }

</sc_bundles>
